<compile_context>
chip_gen: v7x
topology: tpu7x:2x2x1
jax: 0.10.2.dev20260603
libtpu: 0.0.44.dev20260713+nightly
codegen_flags: <defaults>
</compile_context>

<pallas_src>
import functools
import math

import numpy as np
import jax
from jax import lax
import jax.numpy as jnp
from jax.experimental import pallas as pl
from jax.experimental.pallas import tpu as pltpu
from jax.experimental.pallas import tpu_sc as plsc

_NT = 2048
_D = 2048
_NE = 16
_CAP = 256
_EPS = float(jnp.finfo(jnp.float32).eps)

_TB = 256
_NB = _NT // _TB

_ROWS = 2 * _NT
_NWORKERS = 32
_RPW = _ROWS // _NWORKERS
_NC = 2
_VEC = 16
_OUT_ROWS = _NT * _NE
_ZPW = _OUT_ROWS // _NWORKERS
_ZB = 256


def _gumbel_const():
    return jax.random.gumbel(jax.random.key(42), (_NT, _NE), dtype=jnp.float32)


def _cumsum_lanes(m):
    s = 1
    while s < _NT:
        m = m + jnp.pad(m[:, :-s], ((0, 0), (s, 0)))
        s *= 2
    return m


def _first_argmax_rows(vals, e_iota):
    vmax = jnp.max(vals, axis=0, keepdims=True)
    return jnp.min(jnp.where(vals == vmax, e_iota, _NE), axis=0, keepdims=True)


def _matmul_kernel(x0_ref, x1_ref, x2_ref, x3_ref, wg_ref, out_ref):
    q = _D // 4
    w = wg_ref[...]
    acc = jnp.dot(x0_ref[...], w[0:q], preferred_element_type=jnp.float32)
    acc += jnp.dot(x1_ref[...], w[q:2 * q], preferred_element_type=jnp.float32)
    acc += jnp.dot(x2_ref[...], w[2 * q:3 * q], preferred_element_type=jnp.float32)
    acc += jnp.dot(x3_ref[...], w[3 * q:4 * q], preferred_element_type=jnp.float32)
    out_ref[...] = acc


def _route_kernel(lg_ref, gum_ref,
                  ridx_ref, lr_ref, wr_ref, vrows_ref, laux_ref):
    if True:
        logits = lg_ref[...].T
        lmax = jnp.max(logits, axis=0, keepdims=True)
        unnorm = jnp.exp(logits - lmax)
        gates = unnorm / jnp.sum(unnorm, axis=0, keepdims=True)

        e_iota = jax.lax.broadcasted_iota(jnp.int32, (_NE, _NT), 0)

        i1 = _first_argmax_rows(gates, e_iota)
        m1 = e_iota == i1
        mask1 = m1.astype(jnp.float32)

        noised = jnp.where(m1, -jnp.inf, logits + gum_ref[...])
        i2 = _first_argmax_rows(noised, e_iota)
        m2 = e_iota == i2
        mask2 = m2.astype(jnp.float32)

        cs1 = _cumsum_lanes(mask1)
        locations1 = cs1 - 1.0
        count1 = cs1[:, _NT - 1:_NT]
        locations2 = (_cumsum_lanes(mask2) - 1.0) + count1

        me = jnp.mean(gates, axis=1)
        ce = jnp.mean(mask1, axis=1)
        laux_ref[...] = (jnp.mean(me * ce) * (_NE * _NE)).reshape(1, 1)

        mask1 = mask1 * (locations1 < _CAP).astype(jnp.float32)
        mask2 = mask2 * (locations2 < _CAP).astype(jnp.float32)

        g1s = jnp.sum(gates * mask1, axis=0, keepdims=True)
        g2s = jnp.sum(gates * mask2, axis=0, keepdims=True)
        denom = jnp.maximum(g1s + g2s, _EPS)
        g1s = g1s / denom
        g2s = g2s / denom

        l1s = jnp.sum(locations1 * mask1, axis=0, keepdims=True).astype(jnp.int32)
        l2s = jnp.sum(locations2 * mask2, axis=0, keepdims=True).astype(jnp.int32)

        t_iota = jax.lax.broadcasted_iota(jnp.int32, (1, _NT), 1)
        r1 = t_iota * _NE + i1
        r2 = t_iota * _NE + i2

        ridx_ref[...] = jnp.concatenate([r1, r2], axis=0)

        lr_t = jnp.where(m1, l1s, l2s)
        wr_t = g1s * mask1 + g2s * mask2
        lr_ref[...] = lr_t.T
        wr_ref[...] = wr_t.T

        vl = jnp.concatenate([g1s, g2s], axis=0).T
        ll = jnp.concatenate([l1s, l2s], axis=0).T
        c_iota = jax.lax.broadcasted_iota(jnp.int32, (_NT, _CAP), 1)
        vrows_ref[0:_NT, :] = jnp.where(c_iota == ll[:, 0:1], vl[:, 0:1], 0.0)
        vrows_ref[_NT:_ROWS, :] = jnp.where(c_iota == ll[:, 1:2], vl[:, 1:2], 0.0)


def _zero_body(zrow_hbm, cw_hbm, zbuf_v, sem):
    wid = lax.axis_index("s") * _NC + lax.axis_index("c")
    base = wid * _ZPW
    pltpu.sync_copy(zrow_hbm, zbuf_v)
    copies = [
        pltpu.async_copy(zbuf_v, cw_hbm.at[pl.ds(base + k * _ZB, _ZB)], sem)
        for k in range(_ZPW // _ZB)
    ]
    for c in copies:
        c.wait()


def _scatter_body(vrows_hbm, ridx_hbm, cw_hbm, idx_v, vbuf_v, sem):
    wid = lax.axis_index("s") * _NC + lax.axis_index("c")
    base = wid * _RPW
    c1 = pltpu.async_copy(ridx_hbm.at[wid], idx_v, sem)
    c2 = pltpu.async_copy(vrows_hbm.at[pl.ds(base, _RPW)], vbuf_v, sem)
    c1.wait()
    c2.wait()
    pltpu.sync_copy(vbuf_v, cw_hbm.at[idx_v])


def kernel(x, Wg):
    gum_t = _gumbel_const().T
    mesh = plsc.VectorSubcoreMesh(core_axis_name="c", subcore_axis_name="s")

    zrow = jnp.zeros((_ZB, _CAP), jnp.float32)
    cw0 = pl.kernel(
        _zero_body,
        out_type=jax.ShapeDtypeStruct((_OUT_ROWS, _CAP), jnp.float32),
        mesh=mesh,
        scratch_types=[
            pltpu.VMEM((_ZB, _CAP), jnp.float32),
            pltpu.SemaphoreType.DMA,
        ],
    )(zrow)

    q = _D // 4
    logits = pl.pallas_call(
        _matmul_kernel,
        grid=(_NB,),
        in_specs=[
            pl.BlockSpec((_TB, q), lambda i: (i, 0)),
            pl.BlockSpec((_TB, q), lambda i: (i, 1)),
            pl.BlockSpec((_TB, q), lambda i: (i, 2)),
            pl.BlockSpec((_TB, q), lambda i: (i, 3)),
            pl.BlockSpec((_D, _NE), lambda i: (0, 0)),
        ],
        out_specs=pl.BlockSpec((_TB, _NE), lambda i: (i, 0)),
        out_shape=jax.ShapeDtypeStruct((_NT, _NE), jnp.float32),
    )(x, x, x, x, Wg)

    ridx, lr, wr, vrows, laux = pl.pallas_call(
        _route_kernel,
        out_shape=[
            jax.ShapeDtypeStruct((2, _NT), jnp.int32),
            jax.ShapeDtypeStruct((_NT, _NE), jnp.int32),
            jax.ShapeDtypeStruct((_NT, _NE), jnp.float32),
            jax.ShapeDtypeStruct((_ROWS, _CAP), jnp.float32),
            jax.ShapeDtypeStruct((1, 1), jnp.float32),
        ],
    )(logits, gum_t)

    ridx_tiled = ridx.reshape(_NWORKERS, _RPW)

    cw_ref = jax.new_ref(cw0)
    scatter = pl.kernel(
        _scatter_body,
        out_type=(),
        mesh=mesh,
        scratch_types=[
            pltpu.VMEM((_RPW,), jnp.int32),
            pltpu.VMEM((_RPW, _CAP), jnp.float32),
            pltpu.SemaphoreType.DMA,
        ],
    )
    scatter(vrows, ridx_tiled, cw_ref)

    cw = cw_ref[...].reshape(_NT, _NE, _CAP)

    c_iota = jax.lax.broadcasted_iota(jnp.int32, (_NT, _NE, _CAP), 2)
    dm = (c_iota == lr[:, :, None]) & (wr[:, :, None] > 0.0)
    return laux[0, 0], cw, dm

# --- scband reference (transcript-rebuilt; emitter-appended) ---
"""Pipeline reference for scband-top2-gate-56453050139304 (READ-ONLY COPY).

The authoritative reference and input builder live on the scoring server;
editing this copy changes nothing except your own understanding.
"""

import jax, jax.numpy as jnp
import numpy as np
import math

D_MODEL = 2048
NUM_EXPERTS = 16
NUM_TOKENS = 2048


def setup_inputs(seed: int = 0) -> dict:
    key = jax.random.key(seed)
    k1, k2 = jax.random.split(key)
    x = jax.random.normal(k1, (NUM_TOKENS, D_MODEL), dtype=jnp.float32)
    Wg = jax.random.normal(k2, (D_MODEL, NUM_EXPERTS), dtype=jnp.float32) * (1.0 / math.sqrt(D_MODEL))
    return {"x": x, "Wg": Wg}


def reference(x, Wg):
    # gate projection (wg linear layer of Top2Gate)
    logits = x @ Wg
    gates = jax.nn.softmax(logits, axis=1)
    num_tokens, num_experts = gates.shape
    capacity = int(2 * math.ceil(num_tokens / num_experts))  # capacity_factor=1.0

    # top-1 expert
    indices1 = jnp.argmax(gates, axis=1)
    mask1 = jax.nn.one_hot(indices1, num_experts, dtype=gates.dtype)

    # second expert via gumbel sampling policy
    gumbel = jax.random.gumbel(jax.random.key(42), logits.shape, dtype=logits.dtype)
    logits_w_noise = logits + gumbel
    logits_except1 = jnp.where(mask1 > 0, -jnp.inf, logits_w_noise)
    indices2 = jnp.argmax(logits_except1, axis=1)
    mask2 = jax.nn.one_hot(indices2, num_experts, dtype=gates.dtype)

    # positions in expert buffers: cumsum - 1 (fused_cumsum_sub_one)
    locations1 = jnp.cumsum(mask1, axis=0) - 1.0
    locations2 = (jnp.cumsum(mask2, axis=0) - 1.0) + jnp.sum(mask1, axis=0, keepdims=True)

    # load-balancing aux loss
    me = jnp.mean(gates, axis=0)
    ce = jnp.mean(mask1, axis=0)
    l_aux = jnp.mean(me * ce) * num_experts * num_experts

    # drop tokens over capacity
    mask1 = mask1 * (locations1 < capacity).astype(gates.dtype)
    mask2 = mask2 * (locations2 < capacity).astype(gates.dtype)

    # gate values, normalized after dropping (normalize_gate_prob_before_dropping=False)
    gates1_s = jnp.sum(gates * mask1, axis=1)
    gates2_s = jnp.sum(gates * mask2, axis=1)
    denom_s = jnp.maximum(gates1_s + gates2_s, jnp.finfo(gates.dtype).eps)
    gates1_s = gates1_s / denom_s
    gates2_s = gates2_s / denom_s

    locations1_s = jnp.sum(locations1 * mask1, axis=1).astype(jnp.int32)
    locations2_s = jnp.sum(locations2 * mask2, axis=1).astype(jnp.int32)

    gates1 = gates1_s[:, None] * mask1
    gates2 = gates2_s[:, None] * mask2
    locations1_sc = jax.nn.one_hot(locations1_s, capacity, dtype=gates.dtype)
    locations2_sc = jax.nn.one_hot(locations2_s, capacity, dtype=gates.dtype)

    # combine weights: outer product over (expert, capacity) slots (bmm in torch)
    combine1_sec = gates1[:, :, None] * locations1_sc[:, None, :]
    combine2_sec = gates2[:, :, None] * locations2_sc[:, None, :]
    combine_weights = combine1_sec + combine2_sec
    dispatch_mask = combine_weights > 0
    return l_aux, combine_weights, dispatch_mask

if __name__ == "__main__":
    import jax
    _d = setup_inputs()
    print(jax.jit(kernel)(*tuple(_d.values())))

</pallas_src>

<mosaic_0001>
#map = affine_map<(d0, d1) -> (0, 0)>
module attributes {stable_mosaic.version = 14 : i64} {
  func.func @_zero_body(%arg0: i32, %arg1: i32, %arg2: memref<256x256xf32, #tpu.memory_space<hbm>>, %arg3: memref<32768x256xf32, #tpu.memory_space<hbm>>, %arg4: memref<256x256xf32, #tpu.memory_space<vmem>>, %arg5: memref<!tpu.dma_semaphore, #tpu.memory_space<semaphore_mem>>) attributes {dimension_semantics = [#tpu.dimension_semantics<core_parallel>, #tpu.dimension_semantics<subcore_parallel>], iteration_bounds = array<i64: 2, 16>, scalar_prefetch = 0 : i64, scratch_operands = 2 : i64, tpu.core_type = #tpu.core_type<sc_vector_subcore>, window_params = [{transform_indices = #map}, {transform_indices = #map}]} {
    %mul3A = arith.constant 2 : i32
    %mul3A_0 = arith.muli %arg1, %mul3A : i32
    %add3A = arith.addi %mul3A_0, %arg0 : i32
    %mul3A_1 = arith.constant 1024 : i32
    %mul3A_2 = arith.muli %add3A, %mul3A_1 : i32
    "tpu.region"() ({
      %run_scoped3A = tpu.sem_alloc : memref<!tpu.dma_semaphore, #tpu.memory_space<semaphore_mem>>
      tpu.enqueue_dma source(%arg2 : memref<256x256xf32, #tpu.memory_space<hbm>>) target(%arg4 : memref<256x256xf32, #tpu.memory_space<vmem>>) target_semaphore(%run_scoped3A : memref<!tpu.dma_semaphore, #tpu.memory_space<semaphore_mem>>)
      tpu.wait_dma2 semaphore(%run_scoped3A : memref<!tpu.dma_semaphore, #tpu.memory_space<semaphore_mem>>) src(%arg2 : memref<256x256xf32, #tpu.memory_space<hbm>>) dst(%arg4 : memref<256x256xf32, #tpu.memory_space<vmem>>)
      tpu.yield
    }) : () -> ()
    %add3A_3 = arith.constant 0 : i32
    %add3A_4 = arith.addi %mul3A_2, %add3A_3 : i32
    %dma_start3A = arith.constant 0 : i32
    %dma_start3A_5 = tpu.memref_slice %arg3[%add3A_4, %dma_start3A] : memref<32768x256xf32, #tpu.memory_space<hbm>> -> memref<256x256xf32, #tpu.memory_space<hbm>>
    %dma_start3A_6 = arith.constant 0 : i32
    %dma_start3A_7 = tpu.memref_slice %arg3[%add3A_4, %dma_start3A_6] : memref<32768x256xf32, #tpu.memory_space<hbm>> -> memref<256x256xf32, #tpu.memory_space<hbm>>
    tpu.enqueue_dma source(%arg4 : memref<256x256xf32, #tpu.memory_space<vmem>>) target(%dma_start3A_7 : memref<256x256xf32, #tpu.memory_space<hbm>>) target_semaphore(%arg5 : memref<!tpu.dma_semaphore, #tpu.memory_space<semaphore_mem>>)
    %add3A_8 = arith.constant 256 : i32
    %add3A_9 = arith.addi %mul3A_2, %add3A_8 : i32
    %dma_start3A_10 = arith.constant 0 : i32
    %dma_start3A_11 = tpu.memref_slice %arg3[%add3A_9, %dma_start3A_10] : memref<32768x256xf32, #tpu.memory_space<hbm>> -> memref<256x256xf32, #tpu.memory_space<hbm>>
    %dma_start3A_12 = arith.constant 0 : i32
    %dma_start3A_13 = tpu.memref_slice %arg3[%add3A_9, %dma_start3A_12] : memref<32768x256xf32, #tpu.memory_space<hbm>> -> memref<256x256xf32, #tpu.memory_space<hbm>>
    tpu.enqueue_dma source(%arg4 : memref<256x256xf32, #tpu.memory_space<vmem>>) target(%dma_start3A_13 : memref<256x256xf32, #tpu.memory_space<hbm>>) target_semaphore(%arg5 : memref<!tpu.dma_semaphore, #tpu.memory_space<semaphore_mem>>)
    %add3A_14 = arith.constant 512 : i32
    %add3A_15 = arith.addi %mul3A_2, %add3A_14 : i32
    %dma_start3A_16 = arith.constant 0 : i32
    %dma_start3A_17 = tpu.memref_slice %arg3[%add3A_15, %dma_start3A_16] : memref<32768x256xf32, #tpu.memory_space<hbm>> -> memref<256x256xf32, #tpu.memory_space<hbm>>
    %dma_start3A_18 = arith.constant 0 : i32
    %dma_start3A_19 = tpu.memref_slice %arg3[%add3A_15, %dma_start3A_18] : memref<32768x256xf32, #tpu.memory_space<hbm>> -> memref<256x256xf32, #tpu.memory_space<hbm>>
    tpu.enqueue_dma source(%arg4 : memref<256x256xf32, #tpu.memory_space<vmem>>) target(%dma_start3A_19 : memref<256x256xf32, #tpu.memory_space<hbm>>) target_semaphore(%arg5 : memref<!tpu.dma_semaphore, #tpu.memory_space<semaphore_mem>>)
    %add3A_20 = arith.constant 768 : i32
    %add3A_21 = arith.addi %mul3A_2, %add3A_20 : i32
    %dma_start3A_22 = arith.constant 0 : i32
    %dma_start3A_23 = tpu.memref_slice %arg3[%add3A_21, %dma_start3A_22] : memref<32768x256xf32, #tpu.memory_space<hbm>> -> memref<256x256xf32, #tpu.memory_space<hbm>>
    %dma_start3A_24 = arith.constant 0 : i32
    %dma_start3A_25 = tpu.memref_slice %arg3[%add3A_21, %dma_start3A_24] : memref<32768x256xf32, #tpu.memory_space<hbm>> -> memref<256x256xf32, #tpu.memory_space<hbm>>
    tpu.enqueue_dma source(%arg4 : memref<256x256xf32, #tpu.memory_space<vmem>>) target(%dma_start3A_25 : memref<256x256xf32, #tpu.memory_space<hbm>>) target_semaphore(%arg5 : memref<!tpu.dma_semaphore, #tpu.memory_space<semaphore_mem>>)
    %dma_wait3A = arith.constant 0 : i32
    %dma_wait3A_26 = tpu.memref_slice %arg3[%add3A_4, %dma_wait3A] : memref<32768x256xf32, #tpu.memory_space<hbm>> -> memref<256x256xf32, #tpu.memory_space<hbm>>
    %dma_wait3A_27 = arith.constant 0 : i32
    %dma_wait3A_28 = tpu.memref_slice %arg3[%add3A_4, %dma_wait3A_27] : memref<32768x256xf32, #tpu.memory_space<hbm>> -> memref<256x256xf32, #tpu.memory_space<hbm>>
    tpu.wait_dma2 semaphore(%arg5 : memref<!tpu.dma_semaphore, #tpu.memory_space<semaphore_mem>>) src(%arg4 : memref<256x256xf32, #tpu.memory_space<vmem>>) dst(%dma_wait3A_28 : memref<256x256xf32, #tpu.memory_space<hbm>>)
    %dma_wait3A_29 = arith.constant 0 : i32
    %dma_wait3A_30 = tpu.memref_slice %arg3[%add3A_9, %dma_wait3A_29] : memref<32768x256xf32, #tpu.memory_space<hbm>> -> memref<256x256xf32, #tpu.memory_space<hbm>>
    %dma_wait3A_31 = arith.constant 0 : i32
    %dma_wait3A_32 = tpu.memref_slice %arg3[%add3A_9, %dma_wait3A_31] : memref<32768x256xf32, #tpu.memory_space<hbm>> -> memref<256x256xf32, #tpu.memory_space<hbm>>
    tpu.wait_dma2 semaphore(%arg5 : memref<!tpu.dma_semaphore, #tpu.memory_space<semaphore_mem>>) src(%arg4 : memref<256x256xf32, #tpu.memory_space<vmem>>) dst(%dma_wait3A_32 : memref<256x256xf32, #tpu.memory_space<hbm>>)
    %dma_wait3A_33 = arith.constant 0 : i32
    %dma_wait3A_34 = tpu.memref_slice %arg3[%add3A_15, %dma_wait3A_33] : memref<32768x256xf32, #tpu.memory_space<hbm>> -> memref<256x256xf32, #tpu.memory_space<hbm>>
    %dma_wait3A_35 = arith.constant 0 : i32
    %dma_wait3A_36 = tpu.memref_slice %arg3[%add3A_15, %dma_wait3A_35] : memref<32768x256xf32, #tpu.memory_space<hbm>> -> memref<256x256xf32, #tpu.memory_space<hbm>>
    tpu.wait_dma2 semaphore(%arg5 : memref<!tpu.dma_semaphore, #tpu.memory_space<semaphore_mem>>) src(%arg4 : memref<256x256xf32, #tpu.memory_space<vmem>>) dst(%dma_wait3A_36 : memref<256x256xf32, #tpu.memory_space<hbm>>)
    %dma_wait3A_37 = arith.constant 0 : i32
    %dma_wait3A_38 = tpu.memref_slice %arg3[%add3A_21, %dma_wait3A_37] : memref<32768x256xf32, #tpu.memory_space<hbm>> -> memref<256x256xf32, #tpu.memory_space<hbm>>
    %dma_wait3A_39 = arith.constant 0 : i32
    %dma_wait3A_40 = tpu.memref_slice %arg3[%add3A_21, %dma_wait3A_39] : memref<32768x256xf32, #tpu.memory_space<hbm>> -> memref<256x256xf32, #tpu.memory_space<hbm>>
    tpu.wait_dma2 semaphore(%arg5 : memref<!tpu.dma_semaphore, #tpu.memory_space<semaphore_mem>>) src(%arg4 : memref<256x256xf32, #tpu.memory_space<vmem>>) dst(%dma_wait3A_40 : memref<256x256xf32, #tpu.memory_space<hbm>>)
    return
  }
}

#map = affine_map<(d0, d1) -> (0, 0)>
module attributes {stable_mosaic.version = 14 : i64} {
  func.func @new_body(%arg0: i32, %arg1: i32, %arg2: memref<4096x256xf32, #tpu.memory_space<hbm>>, %arg3: memref<32x128xi32, #tpu.memory_space<hbm>>, %arg4: memref<32768x256xf32, #tpu.memory_space<hbm>>, %arg5: memref<32768x256xf32, #tpu.memory_space<hbm>>, %arg6: memref<128xi32, #tpu.memory_space<vmem>>, %arg7: memref<128x256xf32, #tpu.memory_space<vmem>>, %arg8: memref<!tpu.dma_semaphore, #tpu.memory_space<semaphore_mem>>) attributes {dimension_semantics = [#tpu.dimension_semantics<core_parallel>, #tpu.dimension_semantics<subcore_parallel>], iteration_bounds = array<i64: 2, 16>, scalar_prefetch = 0 : i64, scratch_operands = 3 : i64, tpu.core_type = #tpu.core_type<sc_vector_subcore>, window_params = [{transform_indices = #map}, {transform_indices = #map}, {transform_indices = #map}, {transform_indices = #map}]} {
    %mul3A = arith.constant 2 : i32
    %mul3A_0 = arith.muli %arg1, %mul3A : i32
    %add3A = arith.addi %mul3A_0, %arg0 : i32
    %mul3A_1 = arith.constant 128 : i32
    %mul3A_2 = arith.muli %add3A, %mul3A_1 : i32
    %dma_start3A = arith.constant 0 : i32
    %dma_start3A_3 = tpu.memref_slice %arg3[%add3A, %dma_start3A] : memref<32x128xi32, #tpu.memory_space<hbm>> -> memref<1x128xi32, #tpu.memory_space<hbm>>
    %dma_start3A_4 = tpu.memref_squeeze %dma_start3A_3 : memref<1x128xi32, #tpu.memory_space<hbm>> -> memref<128xi32, #tpu.memory_space<hbm>>
    %dma_start3A_5 = arith.constant 0 : i32
    %dma_start3A_6 = tpu.memref_slice %arg3[%add3A, %dma_start3A_5] : memref<32x128xi32, #tpu.memory_space<hbm>> -> memref<1x128xi32, #tpu.memory_space<hbm>>
    %dma_start3A_7 = tpu.memref_squeeze %dma_start3A_6 : memref<1x128xi32, #tpu.memory_space<hbm>> -> memref<128xi32, #tpu.memory_space<hbm>>
    tpu.enqueue_dma source(%dma_start3A_7 : memref<128xi32, #tpu.memory_space<hbm>>) target(%arg6 : memref<128xi32, #tpu.memory_space<vmem>>) target_semaphore(%arg8 : memref<!tpu.dma_semaphore, #tpu.memory_space<semaphore_mem>>)
    %dma_start3A_8 = arith.constant 0 : i32
    %dma_start3A_9 = tpu.memref_slice %arg2[%mul3A_2, %dma_start3A_8] : memref<4096x256xf32, #tpu.memory_space<hbm>> -> memref<128x256xf32, #tpu.memory_space<hbm>>
    %dma_start3A_10 = arith.constant 0 : i32
    %dma_start3A_11 = tpu.memref_slice %arg2[%mul3A_2, %dma_start3A_10] : memref<4096x256xf32, #tpu.memory_space<hbm>> -> memref<128x256xf32, #tpu.memory_space<hbm>>
    tpu.enqueue_dma source(%dma_start3A_11 : memref<128x256xf32, #tpu.memory_space<hbm>>) target(%arg7 : memref<128x256xf32, #tpu.memory_space<vmem>>) target_semaphore(%arg8 : memref<!tpu.dma_semaphore, #tpu.memory_space<semaphore_mem>>)
    %dma_wait3A = arith.constant 0 : i32
    %dma_wait3A_12 = tpu.memref_slice %arg3[%add3A, %dma_wait3A] : memref<32x128xi32, #tpu.memory_space<hbm>> -> memref<1x128xi32, #tpu.memory_space<hbm>>
    %dma_wait3A_13 = tpu.memref_squeeze %dma_wait3A_12 : memref<1x128xi32, #tpu.memory_space<hbm>> -> memref<128xi32, #tpu.memory_space<hbm>>
    %dma_wait3A_14 = arith.constant 0 : i32
    %dma_wait3A_15 = tpu.memref_slice %arg3[%add3A, %dma_wait3A_14] : memref<32x128xi32, #tpu.memory_space<hbm>> -> memref<1x128xi32, #tpu.memory_space<hbm>>
    %dma_wait3A_16 = tpu.memref_squeeze %dma_wait3A_15 : memref<1x128xi32, #tpu.memory_space<hbm>> -> memref<128xi32, #tpu.memory_space<hbm>>
    tpu.wait_dma2 semaphore(%arg8 : memref<!tpu.dma_semaphore, #tpu.memory_space<semaphore_mem>>) src(%dma_wait3A_16 : memref<128xi32, #tpu.memory_space<hbm>>) dst(%arg6 : memref<128xi32, #tpu.memory_space<vmem>>)
    %dma_wait3A_17 = arith.constant 0 : i32
    %dma_wait3A_18 = tpu.memref_slice %arg2[%mul3A_2, %dma_wait3A_17] : memref<4096x256xf32, #tpu.memory_space<hbm>> -> memref<128x256xf32, #tpu.memory_space<hbm>>
    %dma_wait3A_19 = arith.constant 0 : i32
    %dma_wait3A_20 = tpu.memref_slice %arg2[%mul3A_2, %dma_wait3A_19] : memref<4096x256xf32, #tpu.memory_space<hbm>> -> memref<128x256xf32, #tpu.memory_space<hbm>>
    tpu.wait_dma2 semaphore(%arg8 : memref<!tpu.dma_semaphore, #tpu.memory_space<semaphore_mem>>) src(%dma_wait3A_20 : memref<128x256xf32, #tpu.memory_space<hbm>>) dst(%arg7 : memref<128x256xf32, #tpu.memory_space<vmem>>)
    "tpu.region"() ({
      %run_scoped3A = tpu.sem_alloc : memref<!tpu.dma_semaphore, #tpu.memory_space<semaphore_mem>>
      %dma_start3A_21 = arith.constant 0 : i32
      %dma_start3A_22 = arith.constant 0 : i32
      %dma_start3A_23 = tpu.memref_slice %arg4[%dma_start3A_21, %dma_start3A_22] : memref<32768x256xf32, #tpu.memory_space<hbm>> -> memref<32768x256xf32, #tpu.memory_space<hbm>>
      tpu.enqueue_indirect_dma source(%arg7 : memref<128x256xf32, #tpu.memory_space<vmem>>) target(%dma_start3A_23 : memref<32768x256xf32, #tpu.memory_space<hbm>>) offsets(%arg6 : memref<128xi32, #tpu.memory_space<vmem>>) semaphore(%run_scoped3A : memref<!tpu.dma_semaphore, #tpu.memory_space<semaphore_mem>>)
      %dma_wait3A_24 = arith.constant 0 : i32
      %dma_wait3A_25 = arith.constant 0 : i32
      %dma_wait3A_26 = tpu.memref_slice %arg4[%dma_wait3A_24, %dma_wait3A_25] : memref<32768x256xf32, #tpu.memory_space<hbm>> -> memref<32768x256xf32, #tpu.memory_space<hbm>>
      tpu.wait_indirect_dma semaphore(%run_scoped3A : memref<!tpu.dma_semaphore, #tpu.memory_space<semaphore_mem>>) src(%arg7 : memref<128x256xf32, #tpu.memory_space<vmem>>) dst(%dma_wait3A_26 : memref<32768x256xf32, #tpu.memory_space<hbm>>)
      tpu.yield
    }) : () -> ()
    return
  }
}

module attributes {stable_mosaic.version = 14 : i64} {
  func.func @_matmul_kernel(%arg0: i32, %arg1: memref<256x512xf32, #tpu.memory_space<vmem>>, %arg2: memref<256x512xf32, #tpu.memory_space<vmem>>, %arg3: memref<256x512xf32, #tpu.memory_space<vmem>>, %arg4: memref<256x512xf32, #tpu.memory_space<vmem>>, %arg5: memref<2048x16xf32, #tpu.memory_space<vmem>>, %arg6: memref<256x16xf32, #tpu.memory_space<vmem>>) attributes {dimension_semantics = [#tpu.dimension_semantics<arbitrary>], iteration_bounds = array<i64: 8>, scalar_prefetch = 0 : i64, scratch_operands = 0 : i64, tpu.core_type = #tpu.core_type<tc>, window_params = [{transform_indices = @transform_0, window_bounds = array<i64: 256, 512>}, {transform_indices = @transform_1, window_bounds = array<i64: 256, 512>}, {transform_indices = @transform_2, window_bounds = array<i64: 256, 512>}, {transform_indices = @transform_3, window_bounds = array<i64: 256, 512>}, {pipeline_mode = #tpu.pipeline_mode<synchronous>, transform_indices = @transform_4, window_bounds = array<i64: 2048, 16>}, {transform_indices = @transform_5, window_bounds = array<i64: 256, 16>}]} {
    %get3A = arith.constant 0 : index
    %get3A_0 = arith.constant 0 : index
    %get3A_1 = vector.load %arg5[%get3A, %get3A_0] : memref<2048x16xf32, #tpu.memory_space<vmem>>, vector<2048x16xf32>
    %get3A_2 = arith.constant 0 : index
    %get3A_3 = arith.constant 0 : index
    %get3A_4 = vector.load %arg1[%get3A_2, %get3A_3] : memref<256x512xf32, #tpu.memory_space<vmem>>, vector<256x512xf32>
    %slice3A = vector.extract_strided_slice %get3A_1 {offsets = [0, 0], sizes = [512, 16], strides = [1, 1]} : vector<2048x16xf32> to vector<512x16xf32>
    %dot_general3A = arith.constant dense<0.000000e+00> : vector<256x16xf32>
    %dot_general3A_5 = tpu.matmul %get3A_4, %slice3A, %dot_general3A {dimension_numbers = #tpu.dot_dimension_numbers<[1], [0], [0], [1], [0, 0, 1, 1], [], []>, transpose_lhs_hint = false} : vector<256x512xf32>, vector<512x16xf32>, vector<256x16xf32> -> vector<256x16xf32>
    %get3A_6 = arith.constant 0 : index
    %get3A_7 = arith.constant 0 : index
    %get3A_8 = vector.load %arg2[%get3A_6, %get3A_7] : memref<256x512xf32, #tpu.memory_space<vmem>>, vector<256x512xf32>
    %slice3A_9 = vector.extract_strided_slice %get3A_1 {offsets = [512, 0], sizes = [512, 16], strides = [1, 1]} : vector<2048x16xf32> to vector<512x16xf32>
    %dot_general3A_10 = arith.constant dense<0.000000e+00> : vector<256x16xf32>
    %dot_general3A_11 = tpu.matmul %get3A_8, %slice3A_9, %dot_general3A_10 {dimension_numbers = #tpu.dot_dimension_numbers<[1], [0], [0], [1], [0, 0, 1, 1], [], []>, transpose_lhs_hint = false} : vector<256x512xf32>, vector<512x16xf32>, vector<256x16xf32> -> vector<256x16xf32>
    %add3A = arith.addf %dot_general3A_5, %dot_general3A_11 : vector<256x16xf32>
    %get3A_12 = arith.constant 0 : index
    %get3A_13 = arith.constant 0 : index
    %get3A_14 = vector.load %arg3[%get3A_12, %get3A_13] : memref<256x512xf32, #tpu.memory_space<vmem>>, vector<256x512xf32>
    %slice3A_15 = vector.extract_strided_slice %get3A_1 {offsets = [1024, 0], sizes = [512, 16], strides = [1, 1]} : vector<2048x16xf32> to vector<512x16xf32>
    %dot_general3A_16 = arith.constant dense<0.000000e+00> : vector<256x16xf32>
    %dot_general3A_17 = tpu.matmul %get3A_14, %slice3A_15, %dot_general3A_16 {dimension_numbers = #tpu.dot_dimension_numbers<[1], [0], [0], [1], [0, 0, 1, 1], [], []>, transpose_lhs_hint = false} : vector<256x512xf32>, vector<512x16xf32>, vector<256x16xf32> -> vector<256x16xf32>
    %add3A_18 = arith.addf %add3A, %dot_general3A_17 : vector<256x16xf32>
    %get3A_19 = arith.constant 0 : index
    %get3A_20 = arith.constant 0 : index
    %get3A_21 = vector.load %arg4[%get3A_19, %get3A_20] : memref<256x512xf32, #tpu.memory_space<vmem>>, vector<256x512xf32>
    %slice3A_22 = vector.extract_strided_slice %get3A_1 {offsets = [1536, 0], sizes = [512, 16], strides = [1, 1]} : vector<2048x16xf32> to vector<512x16xf32>
    %dot_general3A_23 = arith.constant dense<0.000000e+00> : vector<256x16xf32>
    %dot_general3A_24 = tpu.matmul %get3A_21, %slice3A_22, %dot_general3A_23 {dimension_numbers = #tpu.dot_dimension_numbers<[1], [0], [0], [1], [0, 0, 1, 1], [], []>, transpose_lhs_hint = false} : vector<256x512xf32>, vector<512x16xf32>, vector<256x16xf32> -> vector<256x16xf32>
    %add3A_25 = arith.addf %add3A_18, %dot_general3A_24 : vector<256x16xf32>
    %swap3A = arith.constant 0 : index
    %swap3A_26 = arith.constant 0 : index
    %swap3A_27 = vector.load %arg6[%swap3A, %swap3A_26] : memref<256x16xf32, #tpu.memory_space<vmem>>, vector<256x16xf32>
    tpu.vector_store %arg6[%swap3A, %swap3A_26], %add3A_25 {strides = array<i32>} : memref<256x16xf32, #tpu.memory_space<vmem>>, vector<256x16xf32>,
    return
  }
  func.func @transform_0(%arg0: i32) -> (i32, i32) {
    %c0_i32 = arith.constant 0 : i32
    %c0_i32_0 = arith.constant 0 : i32
    return %arg0, %c0_i32 : i32, i32
  }
  func.func @transform_1(%arg0: i32) -> (i32, i32) {
    %c1_i32 = arith.constant 1 : i32
    %c0_i32 = arith.constant 0 : i32
    return %arg0, %c1_i32 : i32, i32
  }
  func.func @transform_2(%arg0: i32) -> (i32, i32) {
    %c2_i32 = arith.constant 2 : i32
    %c0_i32 = arith.constant 0 : i32
    return %arg0, %c2_i32 : i32, i32
  }
  func.func @transform_3(%arg0: i32) -> (i32, i32) {
    %c3_i32 = arith.constant 3 : i32
    %c0_i32 = arith.constant 0 : i32
    return %arg0, %c3_i32 : i32, i32
  }
  func.func @transform_4(%arg0: i32) -> (i32, i32) {
    %c0_i32 = arith.constant 0 : i32
    %c0_i32_0 = arith.constant 0 : i32
    %c0_i32_1 = arith.constant 0 : i32
    return %c0_i32, %c0_i32_0 : i32, i32
  }
  func.func @transform_5(%arg0: i32) -> (i32, i32) {
    %c0_i32 = arith.constant 0 : i32
    %c0_i32_0 = arith.constant 0 : i32
    return %arg0, %c0_i32 : i32, i32
  }
}

module attributes {stable_mosaic.version = 14 : i64} {
  func.func @_route_kernel(%arg0: memref<2048x16xf32, #tpu.memory_space<vmem>>, %arg1: memref<16x2048xf32, #tpu.memory_space<vmem>>, %arg2: memref<2x2048xi32, #tpu.memory_space<vmem>>, %arg3: memref<2048x16xi32, #tpu.memory_space<vmem>>, %arg4: memref<2048x16xf32, #tpu.memory_space<vmem>>, %arg5: memref<4096x256xf32, #tpu.memory_space<vmem>>, %arg6: memref<1x1xf32, #tpu.memory_space<vmem>>) attributes {dimension_semantics = [], scalar_prefetch = 0 : i64, scratch_operands = 0 : i64, tpu.core_type = #tpu.core_type<tc>} {
    %get3A = arith.constant 0 : index
    %get3A_0 = arith.constant 0 : index
    %get3A_1 = vector.load %arg0[%get3A, %get3A_0] : memref<2048x16xf32, #tpu.memory_space<vmem>>, vector<2048x16xf32>
    %transpose3A = tpu.transpose %get3A_1, [1, 0] : vector<2048x16xf32> -> vector<16x2048xf32>
    %reduce_max3A = arith.constant dense<0xFF800000> : vector<2048xf32>
    %reduce_max3A_2 = vector.multi_reduction <maximumf>, %transpose3A, %reduce_max3A [0] : vector<16x2048xf32> to vector<2048xf32>
    %broadcast_in_dim3A = vector.shape_cast %reduce_max3A_2 : vector<2048xf32> to vector<1x2048xf32>
    %sub3A = vector.broadcast %broadcast_in_dim3A : vector<1x2048xf32> to vector<16x2048xf32>
    %sub3A_3 = arith.subf %transpose3A, %sub3A : vector<16x2048xf32>
    %exp3A = math.exp %sub3A_3 : vector<16x2048xf32>
    %reduce_sum3A = arith.constant dense<0.000000e+00> : vector<2048xf32>
    %reduce_sum3A_4 = vector.multi_reduction <add>, %exp3A, %reduce_sum3A [0] : vector<16x2048xf32> to vector<2048xf32>
    %broadcast_in_dim3A_5 = vector.shape_cast %reduce_sum3A_4 : vector<2048xf32> to vector<1x2048xf32>
    %div3A = vector.broadcast %broadcast_in_dim3A_5 : vector<1x2048xf32> to vector<16x2048xf32>
    %div3A_6 = arith.divf %exp3A, %div3A : vector<16x2048xf32>
    %iota3A = tpu.iota {dimensions = array<i32: 0>} : vector<16x2048xi32>
    %reduce_max3A_7 = arith.constant dense<0xFF800000> : vector<2048xf32>
    %reduce_max3A_8 = vector.multi_reduction <maximumf>, %div3A_6, %reduce_max3A_7 [0] : vector<16x2048xf32> to vector<2048xf32>
    %broadcast_in_dim3A_9 = vector.shape_cast %reduce_max3A_8 : vector<2048xf32> to vector<1x2048xf32>
    %eq3A = vector.broadcast %broadcast_in_dim3A_9 : vector<1x2048xf32> to vector<16x2048xf32>
    %eq3A_10 = arith.cmpf oeq, %div3A_6, %eq3A : vector<16x2048xf32>
    %jit3A = arith.constant 16 : i32
    %broadcast_in_dim3A_11 = vector.broadcast %jit3A : i32 to vector<16x2048xi32>
    %select_n3A = arith.select %eq3A_10, %iota3A, %broadcast_in_dim3A_11 : vector<16x2048xi1>, vector<16x2048xi32>
    %reduce_min3A = arith.constant dense<2147483647> : vector<2048xi32>
    %reduce_min3A_12 = vector.multi_reduction <minsi>, %select_n3A, %reduce_min3A [0] : vector<16x2048xi32> to vector<2048xi32>
    %broadcast_in_dim3A_13 = vector.shape_cast %reduce_min3A_12 : vector<2048xi32> to vector<1x2048xi32>
    %eq3A_14 = vector.broadcast %broadcast_in_dim3A_13 : vector<1x2048xi32> to vector<16x2048xi32>
    %eq3A_15 = arith.cmpi eq, %iota3A, %eq3A_14 : vector<16x2048xi32>
    %convert_element_type3A = arith.extui %eq3A_15 : vector<16x2048xi1> to vector<16x2048xi32>
    %convert_element_type3A_16 = arith.sitofp %convert_element_type3A : vector<16x2048xi32> to vector<16x2048xf32>
    %get3A_17 = arith.constant 0 : index
    %get3A_18 = arith.constant 0 : index
    %get3A_19 = vector.load %arg1[%get3A_17, %get3A_18] : memref<16x2048xf32, #tpu.memory_space<vmem>>, vector<16x2048xf32>
    %add3A = arith.addf %transpose3A, %get3A_19 : vector<16x2048xf32>
    %jit3A_20 = arith.constant 0xFF800000 : f32
    %broadcast_in_dim3A_21 = vector.broadcast %jit3A_20 : f32 to vector<16x2048xf32>
    %select_n3A_22 = arith.select %eq3A_15, %broadcast_in_dim3A_21, %add3A : vector<16x2048xi1>, vector<16x2048xf32>
    %reduce_max3A_23 = arith.constant dense<0xFF800000> : vector<2048xf32>
    %reduce_max3A_24 = vector.multi_reduction <maximumf>, %select_n3A_22, %reduce_max3A_23 [0] : vector<16x2048xf32> to vector<2048xf32>
    %broadcast_in_dim3A_25 = vector.shape_cast %reduce_max3A_24 : vector<2048xf32> to vector<1x2048xf32>
    %eq3A_26 = vector.broadcast %broadcast_in_dim3A_25 : vector<1x2048xf32> to vector<16x2048xf32>
    %eq3A_27 = arith.cmpf oeq, %select_n3A_22, %eq3A_26 : vector<16x2048xf32>
    %jit3A_28 = arith.constant 16 : i32
    %broadcast_in_dim3A_29 = vector.broadcast %jit3A_28 : i32 to vector<16x2048xi32>
    %select_n3A_30 = arith.select %eq3A_27, %iota3A, %broadcast_in_dim3A_29 : vector<16x2048xi1>, vector<16x2048xi32>
    %reduce_min3A_31 = arith.constant dense<2147483647> : vector<2048xi32>
    %reduce_min3A_32 = vector.multi_reduction <minsi>, %select_n3A_30, %reduce_min3A_31 [0] : vector<16x2048xi32> to vector<2048xi32>
    %broadcast_in_dim3A_33 = vector.shape_cast %reduce_min3A_32 : vector<2048xi32> to vector<1x2048xi32>
    %eq3A_34 = vector.broadcast %broadcast_in_dim3A_33 : vector<1x2048xi32> to vector<16x2048xi32>
    %eq3A_35 = arith.cmpi eq, %iota3A, %eq3A_34 : vector<16x2048xi32>
    %convert_element_type3A_36 = arith.extui %eq3A_35 : vector<16x2048xi1> to vector<16x2048xi32>
    %convert_element_type3A_37 = arith.sitofp %convert_element_type3A_36 : vector<16x2048xi32> to vector<16x2048xf32>
    %slice3A = vector.extract_strided_slice %convert_element_type3A_16 {offsets = [0, 0], sizes = [16, 2047], strides = [1, 1]} : vector<16x2048xf32> to vector<16x2047xf32>
    %jit3A_38 = arith.constant 0 : i32
    %convert_element_type3A_39 = arith.sitofp %jit3A_38 : i32 to f32
    %pad3A = vector.broadcast %convert_element_type3A_39 : f32 to vector<16x1xf32>
    %pad3A_40 = tpu.concatenate %pad3A, %slice3A in 1 : vector<16x1xf32>, vector<16x2047xf32> -> vector<16x2048xf32>
    %add3A_41 = arith.addf %convert_element_type3A_16, %pad3A_40 : vector<16x2048xf32>
    %slice3A_42 = vector.extract_strided_slice %add3A_41 {offsets = [0, 0], sizes = [16, 2046], strides = [1, 1]} : vector<16x2048xf32> to vector<16x2046xf32>
    %jit3A_43 = arith.constant 0 : i32
    %convert_element_type3A_44 = arith.sitofp %jit3A_43 : i32 to f32
    %pad3A_45 = vector.broadcast %convert_element_type3A_44 : f32 to vector<16x2xf32>
    %pad3A_46 = tpu.concatenate %pad3A_45, %slice3A_42 in 1 : vector<16x2xf32>, vector<16x2046xf32> -> vector<16x2048xf32>
    %add3A_47 = arith.addf %add3A_41, %pad3A_46 : vector<16x2048xf32>
    %slice3A_48 = vector.extract_strided_slice %add3A_47 {offsets = [0, 0], sizes = [16, 2044], strides = [1, 1]} : vector<16x2048xf32> to vector<16x2044xf32>
    %jit3A_49 = arith.constant 0 : i32
    %convert_element_type3A_50 = arith.sitofp %jit3A_49 : i32 to f32
    %pad3A_51 = vector.broadcast %convert_element_type3A_50 : f32 to vector<16x4xf32>
    %pad3A_52 = tpu.concatenate %pad3A_51, %slice3A_48 in 1 : vector<16x4xf32>, vector<16x2044xf32> -> vector<16x2048xf32>
    %add3A_53 = arith.addf %add3A_47, %pad3A_52 : vector<16x2048xf32>
    %slice3A_54 = vector.extract_strided_slice %add3A_53 {offsets = [0, 0], sizes = [16, 2040], strides = [1, 1]} : vector<16x2048xf32> to vector<16x2040xf32>
    %jit3A_55 = arith.constant 0 : i32
    %convert_element_type3A_56 = arith.sitofp %jit3A_55 : i32 to f32
    %pad3A_57 = vector.broadcast %convert_element_type3A_56 : f32 to vector<16x8xf32>
    %pad3A_58 = tpu.concatenate %pad3A_57, %slice3A_54 in 1 : vector<16x8xf32>, vector<16x2040xf32> -> vector<16x2048xf32>
    %add3A_59 = arith.addf %add3A_53, %pad3A_58 : vector<16x2048xf32>
    %slice3A_60 = vector.extract_strided_slice %add3A_59 {offsets = [0, 0], sizes = [16, 2032], strides = [1, 1]} : vector<16x2048xf32> to vector<16x2032xf32>
    %jit3A_61 = arith.constant 0 : i32
    %convert_element_type3A_62 = arith.sitofp %jit3A_61 : i32 to f32
    %pad3A_63 = vector.broadcast %convert_element_type3A_62 : f32 to vector<16x16xf32>
    %pad3A_64 = tpu.concatenate %pad3A_63, %slice3A_60 in 1 : vector<16x16xf32>, vector<16x2032xf32> -> vector<16x2048xf32>
    %add3A_65 = arith.addf %add3A_59, %pad3A_64 : vector<16x2048xf32>
    %slice3A_66 = vector.extract_strided_slice %add3A_65 {offsets = [0, 0], sizes = [16, 2016], strides = [1, 1]} : vector<16x2048xf32> to vector<16x2016xf32>
    %jit3A_67 = arith.constant 0 : i32
    %convert_element_type3A_68 = arith.sitofp %jit3A_67 : i32 to f32
    %pad3A_69 = vector.broadcast %convert_element_type3A_68 : f32 to vector<16x32xf32>
    %pad3A_70 = tpu.concatenate %pad3A_69, %slice3A_66 in 1 : vector<16x32xf32>, vector<16x2016xf32> -> vector<16x2048xf32>
    %add3A_71 = arith.addf %add3A_65, %pad3A_70 : vector<16x2048xf32>
    %slice3A_72 = vector.extract_strided_slice %add3A_71 {offsets = [0, 0], sizes = [16, 1984], strides = [1, 1]} : vector<16x2048xf32> to vector<16x1984xf32>
    %jit3A_73 = arith.constant 0 : i32
    %convert_element_type3A_74 = arith.sitofp %jit3A_73 : i32 to f32
    %pad3A_75 = vector.broadcast %convert_element_type3A_74 : f32 to vector<16x64xf32>
    %pad3A_76 = tpu.concatenate %pad3A_75, %slice3A_72 in 1 : vector<16x64xf32>, vector<16x1984xf32> -> vector<16x2048xf32>
    %add3A_77 = arith.addf %add3A_71, %pad3A_76 : vector<16x2048xf32>
    %slice3A_78 = vector.extract_strided_slice %add3A_77 {offsets = [0, 0], sizes = [16, 1920], strides = [1, 1]} : vector<16x2048xf32> to vector<16x1920xf32>
    %jit3A_79 = arith.constant 0 : i32
    %convert_element_type3A_80 = arith.sitofp %jit3A_79 : i32 to f32
    %pad3A_81 = vector.broadcast %convert_element_type3A_80 : f32 to vector<16x128xf32>
    %pad3A_82 = tpu.concatenate %pad3A_81, %slice3A_78 in 1 : vector<16x128xf32>, vector<16x1920xf32> -> vector<16x2048xf32>
    %add3A_83 = arith.addf %add3A_77, %pad3A_82 : vector<16x2048xf32>
    %slice3A_84 = vector.extract_strided_slice %add3A_83 {offsets = [0, 0], sizes = [16, 1792], strides = [1, 1]} : vector<16x2048xf32> to vector<16x1792xf32>
    %jit3A_85 = arith.constant 0 : i32
    %convert_element_type3A_86 = arith.sitofp %jit3A_85 : i32 to f32
    %pad3A_87 = vector.broadcast %convert_element_type3A_86 : f32 to vector<16x256xf32>
    %pad3A_88 = tpu.concatenate %pad3A_87, %slice3A_84 in 1 : vector<16x256xf32>, vector<16x1792xf32> -> vector<16x2048xf32>
    %add3A_89 = arith.addf %add3A_83, %pad3A_88 : vector<16x2048xf32>
    %slice3A_90 = vector.extract_strided_slice %add3A_89 {offsets = [0, 0], sizes = [16, 1536], strides = [1, 1]} : vector<16x2048xf32> to vector<16x1536xf32>
    %jit3A_91 = arith.constant 0 : i32
    %convert_element_type3A_92 = arith.sitofp %jit3A_91 : i32 to f32
    %pad3A_93 = vector.broadcast %convert_element_type3A_92 : f32 to vector<16x512xf32>
    %pad3A_94 = tpu.concatenate %pad3A_93, %slice3A_90 in 1 : vector<16x512xf32>, vector<16x1536xf32> -> vector<16x2048xf32>
    %add3A_95 = arith.addf %add3A_89, %pad3A_94 : vector<16x2048xf32>
    %slice3A_96 = vector.extract_strided_slice %add3A_95 {offsets = [0, 0], sizes = [16, 1024], strides = [1, 1]} : vector<16x2048xf32> to vector<16x1024xf32>
    %jit3A_97 = arith.constant 0 : i32
    %convert_element_type3A_98 = arith.sitofp %jit3A_97 : i32 to f32
    %pad3A_99 = vector.broadcast %convert_element_type3A_98 : f32 to vector<16x1024xf32>
    %pad3A_100 = tpu.concatenate %pad3A_99, %slice3A_96 in 1 : vector<16x1024xf32>, vector<16x1024xf32> -> vector<16x2048xf32>
    %add3A_101 = arith.addf %add3A_95, %pad3A_100 : vector<16x2048xf32>
    %sub3A_102 = arith.constant 1.000000e+00 : f32
    %sub3A_103 = vector.broadcast %sub3A_102 : f32 to vector<16x2048xf32>
    %sub3A_104 = arith.subf %add3A_101, %sub3A_103 : vector<16x2048xf32>
    %slice3A_105 = vector.extract_strided_slice %add3A_101 {offsets = [0, 2047], sizes = [16, 1], strides = [1, 1]} : vector<16x2048xf32> to vector<16x1xf32>
    %slice3A_106 = vector.extract_strided_slice %convert_element_type3A_37 {offsets = [0, 0], sizes = [16, 2047], strides = [1, 1]} : vector<16x2048xf32> to vector<16x2047xf32>
    %jit3A_107 = arith.constant 0 : i32
    %convert_element_type3A_108 = arith.sitofp %jit3A_107 : i32 to f32
    %pad3A_109 = vector.broadcast %convert_element_type3A_108 : f32 to vector<16x1xf32>
    %pad3A_110 = tpu.concatenate %pad3A_109, %slice3A_106 in 1 : vector<16x1xf32>, vector<16x2047xf32> -> vector<16x2048xf32>
    %add3A_111 = arith.addf %convert_element_type3A_37, %pad3A_110 : vector<16x2048xf32>
    %slice3A_112 = vector.extract_strided_slice %add3A_111 {offsets = [0, 0], sizes = [16, 2046], strides = [1, 1]} : vector<16x2048xf32> to vector<16x2046xf32>
    %jit3A_113 = arith.constant 0 : i32
    %convert_element_type3A_114 = arith.sitofp %jit3A_113 : i32 to f32
    %pad3A_115 = vector.broadcast %convert_element_type3A_114 : f32 to vector<16x2xf32>
    %pad3A_116 = tpu.concatenate %pad3A_115, %slice3A_112 in 1 : vector<16x2xf32>, vector<16x2046xf32> -> vector<16x2048xf32>
    %add3A_117 = arith.addf %add3A_111, %pad3A_116 : vector<16x2048xf32>
    %slice3A_118 = vector.extract_strided_slice %add3A_117 {offsets = [0, 0], sizes = [16, 2044], strides = [1, 1]} : vector<16x2048xf32> to vector<16x2044xf32>
    %jit3A_119 = arith.constant 0 : i32
    %convert_element_type3A_120 = arith.sitofp %jit3A_119 : i32 to f32
    %pad3A_121 = vector.broadcast %convert_element_type3A_120 : f32 to vector<16x4xf32>
    %pad3A_122 = tpu.concatenate %pad3A_121, %slice3A_118 in 1 : vector<16x4xf32>, vector<16x2044xf32> -> vector<16x2048xf32>
    %add3A_123 = arith.addf %add3A_117, %pad3A_122 : vector<16x2048xf32>
    %slice3A_124 = vector.extract_strided_slice %add3A_123 {offsets = [0, 0], sizes = [16, 2040], strides = [1, 1]} : vector<16x2048xf32> to vector<16x2040xf32>
    %jit3A_125 = arith.constant 0 : i32
    %convert_element_type3A_126 = arith.sitofp %jit3A_125 : i32 to f32
    %pad3A_127 = vector.broadcast %convert_element_type3A_126 : f32 to vector<16x8xf32>
    %pad3A_128 = tpu.concatenate %pad3A_127, %slice3A_124 in 1 : vector<16x8xf32>, vector<16x2040xf32> -> vector<16x2048xf32>
    %add3A_129 = arith.addf %add3A_123, %pad3A_128 : vector<16x2048xf32>
    %slice3A_130 = vector.extract_strided_slice %add3A_129 {offsets = [0, 0], sizes = [16, 2032], strides = [1, 1]} : vector<16x2048xf32> to vector<16x2032xf32>
    %jit3A_131 = arith.constant 0 : i32
    %convert_element_type3A_132 = arith.sitofp %jit3A_131 : i32 to f32
    %pad3A_133 = vector.broadcast %convert_element_type3A_132 : f32 to vector<16x16xf32>
    %pad3A_134 = tpu.concatenate %pad3A_133, %slice3A_130 in 1 : vector<16x16xf32>, vector<16x2032xf32> -> vector<16x2048xf32>
    %add3A_135 = arith.addf %add3A_129, %pad3A_134 : vector<16x2048xf32>
    %slice3A_136 = vector.extract_strided_slice %add3A_135 {offsets = [0, 0], sizes = [16, 2016], strides = [1, 1]} : vector<16x2048xf32> to vector<16x2016xf32>
    %jit3A_137 = arith.constant 0 : i32
    %convert_element_type3A_138 = arith.sitofp %jit3A_137 : i32 to f32
    %pad3A_139 = vector.broadcast %convert_element_type3A_138 : f32 to vector<16x32xf32>
    %pad3A_140 = tpu.concatenate %pad3A_139, %slice3A_136 in 1 : vector<16x32xf32>, vector<16x2016xf32> -> vector<16x2048xf32>
    %add3A_141 = arith.addf %add3A_135, %pad3A_140 : vector<16x2048xf32>
    %slice3A_142 = vector.extract_strided_slice %add3A_141 {offsets = [0, 0], sizes = [16, 1984], strides = [1, 1]} : vector<16x2048xf32> to vector<16x1984xf32>
    %jit3A_143 = arith.constant 0 : i32
    %convert_element_type3A_144 = arith.sitofp %jit3A_143 : i32 to f32
    %pad3A_145 = vector.broadcast %convert_element_type3A_144 : f32 to vector<16x64xf32>
    %pad3A_146 = tpu.concatenate %pad3A_145, %slice3A_142 in 1 : vector<16x64xf32>, vector<16x1984xf32> -> vector<16x2048xf32>
    %add3A_147 = arith.addf %add3A_141, %pad3A_146 : vector<16x2048xf32>
    %slice3A_148 = vector.extract_strided_slice %add3A_147 {offsets = [0, 0], sizes = [16, 1920], strides = [1, 1]} : vector<16x2048xf32> to vector<16x1920xf32>
    %jit3A_149 = arith.constant 0 : i32
    %convert_element_type3A_150 = arith.sitofp %jit3A_149 : i32 to f32
    %pad3A_151 = vector.broadcast %convert_element_type3A_150 : f32 to vector<16x128xf32>
    %pad3A_152 = tpu.concatenate %pad3A_151, %slice3A_148 in 1 : vector<16x128xf32>, vector<16x1920xf32> -> vector<16x2048xf32>
    %add3A_153 = arith.addf %add3A_147, %pad3A_152 : vector<16x2048xf32>
    %slice3A_154 = vector.extract_strided_slice %add3A_153 {offsets = [0, 0], sizes = [16, 1792], strides = [1, 1]} : vector<16x2048xf32> to vector<16x1792xf32>
    %jit3A_155 = arith.constant 0 : i32
    %convert_element_type3A_156 = arith.sitofp %jit3A_155 : i32 to f32
    %pad3A_157 = vector.broadcast %convert_element_type3A_156 : f32 to vector<16x256xf32>
    %pad3A_158 = tpu.concatenate %pad3A_157, %slice3A_154 in 1 : vector<16x256xf32>, vector<16x1792xf32> -> vector<16x2048xf32>
    %add3A_159 = arith.addf %add3A_153, %pad3A_158 : vector<16x2048xf32>
    %slice3A_160 = vector.extract_strided_slice %add3A_159 {offsets = [0, 0], sizes = [16, 1536], strides = [1, 1]} : vector<16x2048xf32> to vector<16x1536xf32>
    %jit3A_161 = arith.constant 0 : i32
    %convert_element_type3A_162 = arith.sitofp %jit3A_161 : i32 to f32
    %pad3A_163 = vector.broadcast %convert_element_type3A_162 : f32 to vector<16x512xf32>
    %pad3A_164 = tpu.concatenate %pad3A_163, %slice3A_160 in 1 : vector<16x512xf32>, vector<16x1536xf32> -> vector<16x2048xf32>
    %add3A_165 = arith.addf %add3A_159, %pad3A_164 : vector<16x2048xf32>
    %slice3A_166 = vector.extract_strided_slice %add3A_165 {offsets = [0, 0], sizes = [16, 1024], strides = [1, 1]} : vector<16x2048xf32> to vector<16x1024xf32>
    %jit3A_167 = arith.constant 0 : i32
    %convert_element_type3A_168 = arith.sitofp %jit3A_167 : i32 to f32
    %pad3A_169 = vector.broadcast %convert_element_type3A_168 : f32 to vector<16x1024xf32>
    %pad3A_170 = tpu.concatenate %pad3A_169, %slice3A_166 in 1 : vector<16x1024xf32>, vector<16x1024xf32> -> vector<16x2048xf32>
    %add3A_171 = arith.addf %add3A_165, %pad3A_170 : vector<16x2048xf32>
    %sub3A_172 = arith.constant 1.000000e+00 : f32
    %sub3A_173 = vector.broadcast %sub3A_172 : f32 to vector<16x2048xf32>
    %sub3A_174 = arith.subf %add3A_171, %sub3A_173 : vector<16x2048xf32>
    %add3A_175 = vector.broadcast %slice3A_105 : vector<16x1xf32> to vector<16x2048xf32>
    %add3A_176 = arith.addf %sub3A_174, %add3A_175 : vector<16x2048xf32>
    %reduce_sum3A_177 = arith.constant dense<0.000000e+00> : vector<16xf32>
    %reduce_sum3A_178 = vector.multi_reduction <add>, %div3A_6, %reduce_sum3A_177 [1] : vector<16x2048xf32> to vector<16xf32>
    %div3A_179 = arith.constant 2.048000e+03 : f32
    %div3A_180 = vector.broadcast %div3A_179 : f32 to vector<16xf32>
    %div3A_181 = arith.divf %reduce_sum3A_178, %div3A_180 : vector<16xf32>
    %reduce_sum3A_182 = arith.constant dense<0.000000e+00> : vector<16xf32>
    %reduce_sum3A_183 = vector.multi_reduction <add>, %convert_element_type3A_16, %reduce_sum3A_182 [1] : vector<16x2048xf32> to vector<16xf32>
    %div3A_184 = arith.constant 2.048000e+03 : f32
    %div3A_185 = vector.broadcast %div3A_184 : f32 to vector<16xf32>
    %div3A_186 = arith.divf %reduce_sum3A_183, %div3A_185 : vector<16xf32>
    %mul3A = arith.mulf %div3A_181, %div3A_186 : vector<16xf32>
    %reduce_sum3A_187 = vector.shape_cast %mul3A : vector<16xf32> to vector<1x16xf32>
    %reduce_sum3A_188 = arith.constant dense<0.000000e+00> : vector<1xf32>
    %reduce_sum3A_189 = vector.multi_reduction <add>, %reduce_sum3A_187, %reduce_sum3A_188 [1] : vector<1x16xf32> to vector<1xf32>
    %reduce_sum3A_190 = vector.shape_cast %reduce_sum3A_189 : vector<1xf32> to vector<1x1xf32>
    %reduce_sum3A_191 = vector.extract %reduce_sum3A_190[0, 0] : f32 from vector<1x1xf32>
    %div3A_192 = arith.constant 1.600000e+01 : f32
    %div3A_193 = arith.divf %reduce_sum3A_191, %div3A_192 : f32
    %mul3A_194 = arith.constant 2.560000e+02 : f32
    %mul3A_195 = arith.mulf %div3A_193, %mul3A_194 : f32
    %reshape3A = vector.broadcast %mul3A_195 : f32 to vector<1x1xf32>
    %swap3A = arith.constant 0 : index
    %swap3A_196 = arith.constant 0 : index
    %swap3A_197 = vector.load %arg6[%swap3A, %swap3A_196] : memref<1x1xf32, #tpu.memory_space<vmem>>, vector<1x1xf32>
    tpu.vector_store %arg6[%swap3A, %swap3A_196], %reshape3A {strides = array<i32>} : memref<1x1xf32, #tpu.memory_space<vmem>>, vector<1x1xf32>,
    %lt3A = arith.constant 2.560000e+02 : f32
    %lt3A_198 = vector.broadcast %lt3A : f32 to vector<16x2048xf32>
    %lt3A_199 = arith.cmpf olt, %sub3A_104, %lt3A_198 : vector<16x2048xf32>
    %convert_element_type3A_200 = arith.extui %lt3A_199 : vector<16x2048xi1> to vector<16x2048xi32>
    %convert_element_type3A_201 = arith.sitofp %convert_element_type3A_200 : vector<16x2048xi32> to vector<16x2048xf32>
    %mul3A_202 = arith.mulf %convert_element_type3A_16, %convert_element_type3A_201 : vector<16x2048xf32>
    %lt3A_203 = arith.constant 2.560000e+02 : f32
    %lt3A_204 = vector.broadcast %lt3A_203 : f32 to vector<16x2048xf32>
    %lt3A_205 = arith.cmpf olt, %add3A_176, %lt3A_204 : vector<16x2048xf32>
    %convert_element_type3A_206 = arith.extui %lt3A_205 : vector<16x2048xi1> to vector<16x2048xi32>
    %convert_element_type3A_207 = arith.sitofp %convert_element_type3A_206 : vector<16x2048xi32> to vector<16x2048xf32>
    %mul3A_208 = arith.mulf %convert_element_type3A_37, %convert_element_type3A_207 : vector<16x2048xf32>
    %mul3A_209 = arith.mulf %div3A_6, %mul3A_202 : vector<16x2048xf32>
    %reduce_sum3A_210 = arith.constant dense<0.000000e+00> : vector<2048xf32>
    %reduce_sum3A_211 = vector.multi_reduction <add>, %mul3A_209, %reduce_sum3A_210 [0] : vector<16x2048xf32> to vector<2048xf32>
    %broadcast_in_dim3A_212 = vector.shape_cast %reduce_sum3A_211 : vector<2048xf32> to vector<1x2048xf32>
    %mul3A_213 = arith.mulf %div3A_6, %mul3A_208 : vector<16x2048xf32>
    %reduce_sum3A_214 = arith.constant dense<0.000000e+00> : vector<2048xf32>
    %reduce_sum3A_215 = vector.multi_reduction <add>, %mul3A_213, %reduce_sum3A_214 [0] : vector<16x2048xf32> to vector<2048xf32>
    %broadcast_in_dim3A_216 = vector.shape_cast %reduce_sum3A_215 : vector<2048xf32> to vector<1x2048xf32>
    %add3A_217 = arith.addf %broadcast_in_dim3A_212, %broadcast_in_dim3A_216 : vector<1x2048xf32>
    %max3A = arith.constant 1.1920929E-7 : f32
    %max3A_218 = vector.broadcast %max3A : f32 to vector<1x2048xf32>
    %max3A_219 = arith.maximumf %add3A_217, %max3A_218 : vector<1x2048xf32>
    %div3A_220 = arith.divf %broadcast_in_dim3A_212, %max3A_219 : vector<1x2048xf32>
    %div3A_221 = arith.divf %broadcast_in_dim3A_216, %max3A_219 : vector<1x2048xf32>
    %mul3A_222 = arith.mulf %sub3A_104, %mul3A_202 : vector<16x2048xf32>
    %reduce_sum3A_223 = arith.constant dense<0.000000e+00> : vector<2048xf32>
    %reduce_sum3A_224 = vector.multi_reduction <add>, %mul3A_222, %reduce_sum3A_223 [0] : vector<16x2048xf32> to vector<2048xf32>
    %broadcast_in_dim3A_225 = vector.shape_cast %reduce_sum3A_224 : vector<2048xf32> to vector<1x2048xf32>
    %convert_element_type3A_226 = arith.fptosi %broadcast_in_dim3A_225 : vector<1x2048xf32> to vector<1x2048xi32>
    %mul3A_227 = arith.mulf %add3A_176, %mul3A_208 : vector<16x2048xf32>
    %reduce_sum3A_228 = arith.constant dense<0.000000e+00> : vector<2048xf32>
    %reduce_sum3A_229 = vector.multi_reduction <add>, %mul3A_227, %reduce_sum3A_228 [0] : vector<16x2048xf32> to vector<2048xf32>
    %broadcast_in_dim3A_230 = vector.shape_cast %reduce_sum3A_229 : vector<2048xf32> to vector<1x2048xf32>
    %convert_element_type3A_231 = arith.fptosi %broadcast_in_dim3A_230 : vector<1x2048xf32> to vector<1x2048xi32>
    %iota3A_232 = tpu.iota {dimensions = array<i32: 1>} : vector<1x2048xi32>
    %mul3A_233 = arith.constant 16 : i32
    %mul3A_234 = vector.broadcast %mul3A_233 : i32 to vector<1x2048xi32>
    %mul3A_235 = arith.muli %iota3A_232, %mul3A_234 : vector<1x2048xi32>
    %add3A_236 = arith.addi %mul3A_235, %broadcast_in_dim3A_13 : vector<1x2048xi32>
    %mul3A_237 = arith.constant 16 : i32
    %mul3A_238 = vector.broadcast %mul3A_237 : i32 to vector<1x2048xi32>
    %mul3A_239 = arith.muli %iota3A_232, %mul3A_238 : vector<1x2048xi32>
    %add3A_240 = arith.addi %mul3A_239, %broadcast_in_dim3A_33 : vector<1x2048xi32>
    %concatenate3A = tpu.concatenate %add3A_236, %add3A_240 in 0 : vector<1x2048xi32>, vector<1x2048xi32> -> vector<2x2048xi32>
    %swap3A_241 = arith.constant 0 : index
    %swap3A_242 = arith.constant 0 : index
    %swap3A_243 = vector.load %arg2[%swap3A_241, %swap3A_242] : memref<2x2048xi32, #tpu.memory_space<vmem>>, vector<2x2048xi32>
    tpu.vector_store %arg2[%swap3A_241, %swap3A_242], %concatenate3A {strides = array<i32>} : memref<2x2048xi32, #tpu.memory_space<vmem>>, vector<2x2048xi32>,
    %broadcast_in_dim3A_244 = vector.shape_cast %convert_element_type3A_226 : vector<1x2048xi32> to vector<1x2048xi32>
    %broadcast_in_dim3A_245 = vector.broadcast %broadcast_in_dim3A_244 : vector<1x2048xi32> to vector<16x2048xi32>
    %broadcast_in_dim3A_246 = vector.shape_cast %convert_element_type3A_231 : vector<1x2048xi32> to vector<1x2048xi32>
    %broadcast_in_dim3A_247 = vector.broadcast %broadcast_in_dim3A_246 : vector<1x2048xi32> to vector<16x2048xi32>
    %select_n3A_248 = arith.select %eq3A_15, %broadcast_in_dim3A_245, %broadcast_in_dim3A_247 : vector<16x2048xi1>, vector<16x2048xi32>
    %mul3A_249 = vector.broadcast %div3A_220 : vector<1x2048xf32> to vector<16x2048xf32>
    %mul3A_250 = arith.mulf %mul3A_249, %mul3A_202 : vector<16x2048xf32>
    %mul3A_251 = vector.broadcast %div3A_221 : vector<1x2048xf32> to vector<16x2048xf32>
    %mul3A_252 = arith.mulf %mul3A_251, %mul3A_208 : vector<16x2048xf32>
    %add3A_253 = arith.addf %mul3A_250, %mul3A_252 : vector<16x2048xf32>
    %transpose3A_254 = tpu.transpose %select_n3A_248, [1, 0] : vector<16x2048xi32> -> vector<2048x16xi32>
    %swap3A_255 = arith.constant 0 : index
    %swap3A_256 = arith.constant 0 : index
    %swap3A_257 = vector.load %arg3[%swap3A_255, %swap3A_256] : memref<2048x16xi32, #tpu.memory_space<vmem>>, vector<2048x16xi32>
    tpu.vector_store %arg3[%swap3A_255, %swap3A_256], %transpose3A_254 {strides = array<i32>} : memref<2048x16xi32, #tpu.memory_space<vmem>>, vector<2048x16xi32>,
    %transpose3A_258 = tpu.transpose %add3A_253, [1, 0] : vector<16x2048xf32> -> vector<2048x16xf32>
    %swap3A_259 = arith.constant 0 : index
    %swap3A_260 = arith.constant 0 : index
    %swap3A_261 = vector.load %arg4[%swap3A_259, %swap3A_260] : memref<2048x16xf32, #tpu.memory_space<vmem>>, vector<2048x16xf32>
    tpu.vector_store %arg4[%swap3A_259, %swap3A_260], %transpose3A_258 {strides = array<i32>} : memref<2048x16xf32, #tpu.memory_space<vmem>>, vector<2048x16xf32>,
    %concatenate3A_262 = tpu.concatenate %div3A_220, %div3A_221 in 0 : vector<1x2048xf32>, vector<1x2048xf32> -> vector<2x2048xf32>
    %transpose3A_263 = tpu.transpose %concatenate3A_262, [1, 0] : vector<2x2048xf32> -> vector<2048x2xf32>
    %concatenate3A_264 = tpu.concatenate %convert_element_type3A_226, %convert_element_type3A_231 in 0 : vector<1x2048xi32>, vector<1x2048xi32> -> vector<2x2048xi32>
    %transpose3A_265 = tpu.transpose %concatenate3A_264, [1, 0] : vector<2x2048xi32> -> vector<2048x2xi32>
    %iota3A_266 = tpu.iota {dimensions = array<i32: 1>} : vector<2048x256xi32>
    %slice3A_267 = vector.extract_strided_slice %transpose3A_265 {offsets = [0, 0], sizes = [2048, 1], strides = [1, 1]} : vector<2048x2xi32> to vector<2048x1xi32>
    %eq3A_268 = vector.broadcast %slice3A_267 : vector<2048x1xi32> to vector<2048x256xi32>
    %eq3A_269 = arith.cmpi eq, %iota3A_266, %eq3A_268 : vector<2048x256xi32>
    %slice3A_270 = vector.extract_strided_slice %transpose3A_263 {offsets = [0, 0], sizes = [2048, 1], strides = [1, 1]} : vector<2048x2xf32> to vector<2048x1xf32>
    %jit3A_271 = arith.constant 0.000000e+00 : f32
    %broadcast_in_dim3A_272 = vector.shape_cast %slice3A_270 : vector<2048x1xf32> to vector<2048x1xf32>
    %broadcast_in_dim3A_273 = vector.broadcast %broadcast_in_dim3A_272 : vector<2048x1xf32> to vector<2048x256xf32>
    %broadcast_in_dim3A_274 = vector.broadcast %jit3A_271 : f32 to vector<2048x256xf32>
    %select_n3A_275 = arith.select %eq3A_269, %broadcast_in_dim3A_273, %broadcast_in_dim3A_274 : vector<2048x256xi1>, vector<2048x256xf32>
    %swap3A_276 = arith.constant 0 : index
    %swap3A_277 = arith.constant 0 : index
    %swap3A_278 = vector.load %arg5[%swap3A_276, %swap3A_277] : memref<4096x256xf32, #tpu.memory_space<vmem>>, vector<2048x256xf32>
    tpu.vector_store %arg5[%swap3A_276, %swap3A_277], %select_n3A_275 {strides = array<i32>} : memref<4096x256xf32, #tpu.memory_space<vmem>>, vector<2048x256xf32>,
    %slice3A_279 = vector.extract_strided_slice %transpose3A_265 {offsets = [0, 1], sizes = [2048, 1], strides = [1, 1]} : vector<2048x2xi32> to vector<2048x1xi32>
    %eq3A_280 = vector.broadcast %slice3A_279 : vector<2048x1xi32> to vector<2048x256xi32>
    %eq3A_281 = arith.cmpi eq, %iota3A_266, %eq3A_280 : vector<2048x256xi32>
    %slice3A_282 = vector.extract_strided_slice %transpose3A_263 {offsets = [0, 1], sizes = [2048, 1], strides = [1, 1]} : vector<2048x2xf32> to vector<2048x1xf32>
    %jit3A_283 = arith.constant 0.000000e+00 : f32
    %broadcast_in_dim3A_284 = vector.shape_cast %slice3A_282 : vector<2048x1xf32> to vector<2048x1xf32>
    %broadcast_in_dim3A_285 = vector.broadcast %broadcast_in_dim3A_284 : vector<2048x1xf32> to vector<2048x256xf32>
    %broadcast_in_dim3A_286 = vector.broadcast %jit3A_283 : f32 to vector<2048x256xf32>
    %select_n3A_287 = arith.select %eq3A_281, %broadcast_in_dim3A_285, %broadcast_in_dim3A_286 : vector<2048x256xi1>, vector<2048x256xf32>
    %swap3A_288 = arith.constant 2048 : index
    %swap3A_289 = arith.constant 0 : index
    %swap3A_290 = vector.load %arg5[%swap3A_288, %swap3A_289] : memref<4096x256xf32, #tpu.memory_space<vmem>>, vector<2048x256xf32>
    tpu.vector_store %arg5[%swap3A_288, %swap3A_289], %select_n3A_287 {strides = array<i32>} : memref<4096x256xf32, #tpu.memory_space<vmem>>, vector<2048x256xf32>,
    return
  }
}

</mosaic_0001>

<sc_bundles>
// kernel: kernel.6.cloned.1.call-start
scs
__scs_entry_jumppad:
0x0: {  	(pc) =	sbr.rel $0x88, $3  }
0x1: {  	(tag) =	ssettag $0x0;
	lr =	simm.s32 $0x1  }
0x2: {  	[smem:$0x3F9F] =	sst lr;
	_ =	strace $0xD0000000  }
0x3: {  	_ = 	snop  }
0x4: {  	_ = 	snop  }
0x5: {  	_ = 	snop  }
0x6: {  	_ = 	snop  }
0x7: {  	_ = 	snop  }
__scs_overlays_trampoline_lowered:
0x8: {  	[smem:$0x3FAE] =	sst s0  }
0x9: {  	[smem:$0x3FAF] =	sst s1  }
0xa: {  	[smem:$0x3FB0] =	sst s2  }
0xb: {  	[smem:$0x3FB1] =	sst s3  }
0xc: {  	[smem:$0x3FB2] =	sst s4  }
0xd: {  	[smem:$0x3FB3] =	sst s5  }
0xe: {  	[smem:$0x3FB4] =	sst s6  }
0xf: {  	[smem:$0x3FB5] =	sst s7  }
0x10: {  	[smem:$0x3FB6] =	sst s8  }
0x11: {  	[smem:$0x3FB7] =	sst s9;
	s0 =	simm.s32 @!p0 $0x0  }
0x12: {  	s1 =	sld [smem:$0x3F9D];
	s0 =	simm.s32 @p0 $0x1  }
0x13: {  	[smem:$0x3FB8] =	sst s0;
	s0 =	simm.s32 @!p1 $0x0  }
0x14: {  	s2 =	sld [smem:$0x3F9C];
	s0 =	simm.s32 @p1 $0x1  }
0x15: {  	[smem:$0x3FB9] =	sst s0;
	s0 =	simm.s32 @!p2 $0x0  }
0x16: {  	s3 =	sld [smem:$0x3FDB];
	s0 =	simm.s32 @p2 $0x1  }
0x17: {  	s4 =	simm.s32 $0x1BF5;
	[smem:$0x3FBB] =	sst s0  }
0x18: {  	s0 =	sld [smem:$0x3F9E];
	_ =	swait.ge [sflag:s4], $0x0  }
0x19: {  	s7 =	sld [smem:$0x3F9F]  }
0x1a: {  	s8 =	sadd.s32 $0xFFFFE003, lr  }
0x1b: {  	s9 =	sadd.s32 $0xFFFFFEF7, lr;
	s5 =	simm.s32 $0xFFFFFFFF;
	p2 =	slt.u32 s8, $0xFFFFF086  }
0x1c: {  	p1 =	slt.u32 s9, $0xF7A;
	s5 =	simm.s32 @!p2 $0x0  }
0x1d: {  	s5 =	simm.s32 @p1 $0x1;
	p0 =	seq.s32 s7, s2  }
0x1e: {  	s7 =	smul.u32 @!p0 $0xF7A, s2;
	p2 =	seq.s32 @!p0 s5, $0x0  }
0x1f: {  	s9 =	smul.u32 $0xF7A, s1;
	s8 =	simm.s32 @!p0 $0x1BF5;
	p2 =	por !p2, p0  }
0x20: {  	[sflag:s8] =	ssyncset.s32 @!p0 $0xFFFFF086;
	s6 =	sadd.s32 @!p0 s3, s7;
	s7 =	simm.s32 @!p0 $0x108  }
0x21: {  	s3 =	sadd.s32 s3, s9;
	s6 =	sadd.s32 @!p0 $0x88, s6;
	s7 =	simm.s32 @p2 $0x1082  }
0x22: {  	[simem:s7], [sflag:s8] =	dma.local @!p0 [hbm:s6], $0xF7A  }
0x23: {  	s9 =	sor.u32 $0xD0000000, s2;
	s6 =	simm.s32 $0x108;
	_ =	swait.ge @!p0 [sflag:s8], $0x0  }
0x24: {  	s3 =	sadd.s32 $0x88, s3;
	s6 =	simm.s32 @!p1 $0x1082;
	[sflag:s4] =	ssyncset.s32 $0xFFFFF086  }
0x25: {  	[simem:s6], [sflag:s4] =	dma.local [hbm:s3], $0xF7A  }
0x26: {  	[smem:$0x3F9F] =	sst s1;
	(tag) =	ssettag s2;
	_ =	strace s9  }
0x27: {  	s1 =	sld [smem:$0x3FAF]  }
0x28: {  	s2 =	sld [smem:$0x3FB0]  }
0x29: {  	s4 =	sld [smem:$0x3FB2]  }
0x2a: {  	p0 =	seq.s32 s5, $0x0;
	s5 =	sld [smem:$0x3FB3]  }
0x2b: {  	s6 =	sld [smem:$0x3FB4]  }
0x2c: {  	s7 =	sld [smem:$0x3FB5]  }
0x2d: {  	s3 =	simm.s32 $0x108;
	s8 =	sld [smem:$0x3FB6]  }
0x2e: {  	s3 =	simm.s32 @!p0 $0x1082;
	s9 =	sld [smem:$0x3FB7]  }
0x2f: {  	lr =	sadd.s32 s0, s3;
	s0 =	sld [smem:$0x3FAE]  }
0x30: {  	s3 =	sld [smem:$0x3FB1]  }
0x31: {  	[smem:$0x3FBA] =	sst s10  }
0x32: {  	s10 =	sld [smem:$0x3FB8];
	_ =	sdelay $0x3  }
0x33: {  	p0 =	seq.s32 s10, $0x1;
	s10 =	sld [smem:$0x3FBA];
	_ =	sdelay $0x3  }
0x34: {  	[smem:$0x3FBA] =	sst s10  }
0x35: {  	s10 =	sld [smem:$0x3FB9];
	_ =	sdelay $0x3  }
0x36: {  	p1 =	seq.s32 s10, $0x1;
	s10 =	sld [smem:$0x3FBA];
	_ =	sdelay $0x3  }
0x37: {  	[smem:$0x3FBA] =	sst s10  }
0x38: {  	s10 =	sld [smem:$0x3FBB]  }
0x39: {  	_ = 	snop;
	(pc) =	sbr.ind lr, $3  }
0x3a: {  	_ = 	snop  }
0x3b: {  	_ = 	snop  }
0x3c: {  	p2 =	seq.s32 s10, $0x1;
	s10 =	sld [smem:$0x3FBA]  }
0x3d: {  	_ =	shalt  }
0x3e: {  	_ =	shalt  }
0x3f: {  	_ =	shalt  }
0x40: {  	_ =	shalt  }
0x41: {  	_ =	shalt  }
0x42: {  	_ =	shalt  }
0x43: {  	_ =	shalt  }
0x44: {  	_ =	shalt  }
0x45: {  	_ =	shalt  }
0x46: {  	_ =	shalt  }
0x47: {  	_ =	shalt  }
0x48: {  	_ =	shalt  }
0x49: {  	_ =	shalt  }
0x4a: {  	_ =	shalt  }
0x4b: {  	_ =	shalt  }
0x4c: {  	_ =	shalt  }
0x4d: {  	_ =	shalt  }
0x4e: {  	_ =	shalt  }
0x4f: {  	_ =	shalt  }
0x50: {  	_ =	shalt  }
0x51: {  	_ =	shalt  }
0x52: {  	_ =	shalt  }
0x53: {  	_ =	shalt  }
0x54: {  	_ =	shalt  }
0x55: {  	_ =	shalt  }
0x56: {  	_ =	shalt  }
0x57: {  	_ =	shalt  }
0x58: {  	_ =	shalt  }
0x59: {  	_ =	shalt  }
0x5a: {  	_ =	shalt  }
0x5b: {  	_ =	shalt  }
0x5c: {  	_ =	shalt  }
0x5d: {  	_ =	shalt  }
0x5e: {  	_ =	shalt  }
0x5f: {  	_ =	shalt  }
0x60: {  	_ =	shalt  }
0x61: {  	_ =	shalt  }
0x62: {  	_ =	shalt  }
0x63: {  	_ =	shalt  }
0x64: {  	_ =	shalt  }
0x65: {  	_ =	shalt  }
0x66: {  	_ =	shalt  }
0x67: {  	_ =	shalt  }
0x68: {  	_ =	shalt  }
0x69: {  	_ =	shalt  }
0x6a: {  	_ =	shalt  }
0x6b: {  	_ =	shalt  }
0x6c: {  	_ =	shalt  }
0x6d: {  	_ =	shalt  }
0x6e: {  	_ =	shalt  }
0x6f: {  	_ =	shalt  }
0x70: {  	_ =	shalt  }
0x71: {  	_ =	shalt  }
0x72: {  	_ =	shalt  }
0x73: {  	_ =	shalt  }
0x74: {  	_ =	shalt  }
0x75: {  	_ =	shalt  }
0x76: {  	_ =	shalt  }
0x77: {  	_ =	shalt  }
0x78: {  	_ =	shalt  }
0x79: {  	_ =	shalt  }
0x7a: {  	_ =	shalt  }
0x7b: {  	_ =	shalt  }
0x7c: {  	_ =	shalt  }
0x7d: {  	_ =	shalt  }
0x7e: {  	_ =	shalt  }
0x7f: {  	_ =	shalt  }
0x80: {  	_ =	shalt  }
0x81: {  	_ =	shalt  }
0x82: {  	_ =	shalt  }
0x83: {  	_ =	shalt  }
0x84: {  	_ =	shalt  }
0x85: {  	_ =	shalt  }
0x86: {  	_ =	shalt  }
0x87: {  	_ =	shalt  }
.Lfunc_end0:
.L_simem_size_0:
called_computation_lowered:
.L_overlay_start_0:
0x88: {  	s2 =	sld [smem:$0x3FD9]  }
0x89: {  	s3 =	sld [smem:$0x3FFE];
	_ =	sdelay $0x1  }
0x8a: {  	s1 =	srdreg.scid  }
0x8b: {  	s0 =	sand.u32 $0x1, s1  }
0x8c: {  	s15 =	sshll.u32 s0, $0xA;
	s2 =	sadd.s32 s3, s2  }
0x8d: {  	s2 =	sadd.s32 s2, s15  }
0x8e: {  	[smem:$0x3FC6] =	sst s2  }
0x8f: {  	_ = 	snop  }
0x90: {  	s2 =	sld [smem:$0x3FD0];
	_ =	sdelay $0x2  }
0x91: {  	s16 =	simm.s32 $0xA;
	s4 =	simm.s32 $0x10  }
0x92: {  	[smem:s4], [sflag:s16] =	dma.local [hbm:s2], $0x1  }
0x93: {  	_ =	swait.eq [sflag:s16], $0x1  }
0x94: {  	[sflag:s16] =	ssyncset.done $0x0  }
0x95: {  	s17 =	sld [smem:$0x11];
	[sflag:s16] =	ssyncadd.s32 $0xFFFFFFFF  }
0x96: {  	s18 =	sld [smem:$0x12];
	(tm) =	ssettm $0x1  }
0x97: {  	s19 =	sld [smem:$0x3FFB];
	_ =	sdelay $0x3  }
0x98: {  	_ =	strace s19  }
0x99: {  	s4 =	sld [smem:$0x3FFC];
	_ =	sdelay $0x3  }
0x9a: {  	_ =	strace s4  }
0x9b: {  	s4 =	sld [smem:$0x3FFD];
	_ =	sdelay $0x3  }
0x9c: {  	_ =	strace s4  }
0x9d: {  	_ =	strace $0x8FFFFFFF  }
0x9e: {  	s20 =	sld [smem:$0x3FDB];
	_ =	sdelay $0x1  }
0x9f: {  	s5 =	simm.s32 $_scs_section_size  }
0xa0: {  	s6 =	simm.s32 $_size__tile_overlayer_lowered;
	s7 =	simm.s32 $_tile_overlayer_lowered  }
0xa1: {  	s23 =	simm.s32 $0x1BFF;
	s22 =	sshll.u32 s7, $0x1;
	s4 =	sadd.s32 s5, s20  }
0xa2: {  	s8 =	simm.s32 $0x0;
	s21 =	sshll.u32 s6, $0x1;
	s6 =	sadd.s32 s22, s4  }
0xa3: {  	[timem:s8], [sflag:s23] =	dma.local [hbm:s6], s21  }
0xa4: {  	_ =	swait.ge [sflag:s23], s21  }
0xa5: {  	s5 =	ssub.s32 $0x0, s21;
	[sflag:s23] =	ssyncset.done $0x0  }
0xa6: {  	[sflag:s23] =	ssyncadd.s32 s5;
	_ =	sdelay $0x1  }
0xa7: {  	s24 =	simm.s32 $0x1B8B  }
0xa8: {  	_ =	swait.ge [sflag:s24], $0x1  }
0xa9: {  	[sflag:s24] =	ssyncset.done $0x0  }
0xaa: {  	s25 =	simm.s32 $0x1B8E;
	[sflag:s24] =	ssyncadd.s32 $0xFFFFFFFF  }
0xab: {  	s26 =	simm.s32 $execute0_lowered;
	[smem:$0x3FD2] =	sst s25  }
0xac: {  	s5 =	sshll.u32 s26, $0x1;
	_ =	strace $0x80000046;
	[dreg:$0x1] =	wrdreg $0xFFFFFFFF  }
0xad: {  	s28 =	simm.s32 $_size_execute0_lowered;
	s4 =	sadd.s32 s4, s5;
	[dreg:$0x0] =	wrdreg $0x0  }
0xae: {  	s5 =	sshll.u32 s28, $0x1;
	[dreg:$0x2] =	wrdreg s4  }
0xaf: {  	[dreg:$0x3] =	wrdreg s5  }
0xb0: {  	[dreg:$0x4] =	wrdreg $0xC0  }
0xb1: {  	_ =	task [dreg:s8], $0x5FFFF  }
0xb2: {  	[dreg:$0x1] =	wrdreg $0xFFFFFFFF  }
0xb3: {  	[dreg:$0x0] =	wrdreg $0x60  }
0xb4: {  	[dreg:$0x2] =	wrdreg s18  }
0xb5: {  	[dreg:$0x3] =	wrdreg s17  }
0xb6: {  	[dreg:$0x4] =	wrdreg $0x9  }
0xb7: {  	_ =	task.clear_ibuf [dreg:s8], $0x5FFFF;
	_ =	strace $0x90000046  }
0xb8: {  	s29 =	simm.s32 $0x9;
	_ =	strace $0x80000048  }
0xb9: {  	_ =	swait.ge [sflag:s29], $0x1  }
0xba: {  	[sflag:s29] =	ssyncadd.s32 $0xFFFFFFFF  }
0xbb: {  	_ =	strace $0x90000048  }
0xbc: {  	_ =	sfence  }
0xbd: {  	s30 =	sld [smem:$0x0];
	_ =	sdelay $0x2  }
0xbe: {  	s31 =	sshll.u32 s1, $0xD;
	s1 =	sshrl.u32 s1, $0x2  }
0xbf: {  	s3 =	sand.u32 $0x4000, s31;
	s1 =	sadd.s32 s1, s30  }
0xc0: {  	s0 =	sor.u32 s3, s0;
	s1 =	sshll.u32 s1, $0x11  }
0xc1: {  	s0 =	sor.u32 s1, s0  }
0xc2: {  	s0 =	sadd.s32 $0x8F2B, s0  }
0xc3: {  	[sflag:s0] =	ssyncadd.remote.s32 $0x1  }
0xc4: {  	_ =	sfence.sel $0xFFFF  }
0xc5: {  	[dreg:$0x0] =	wrdreg $0xFFFFFFFF;
	(pc) =	sbr.abs _section_cstart, $3  }
0xc6: {  	[dreg:$0x1] =	wrdreg $0xFFFFFFFF  }
0xc7: {  	_ =	task.clear_ibuf [dreg:s8], $0x2FFFF;
	_ =	strace $0x9FFFFFFF  }
0xc8: {  	(tm) =	ssettm $0x7FFFFFFF  }
0xc9: {  	_ =	shalt  }
tec
execute0_lowered:
.L_overlay_start_1:
0x0: {  	(tag) =	ssettag $0x1  }
0x1: {  	s1 =	rddreg [dreg:$0x0]  }
0x2: {  	s5 =	rddreg [dreg:$0x1]  }
0x3: {  	s0 =	rddreg [dreg:$0x2];
	s3 =	simm.s32 $0x0;
	s4 =	srdreg.scid  }
0x4: {  	s2 =	stileid.u32;
	[smem:$0x7FF] =	sst s3  }
0x5: {  	s10 =	sand.u32 $0x1, s4;
	s4 =	simm.s32 $0x2;
	_ =	strace $0x80000047  }
0x6: {  	[tilespmem:s3], [sflag:$0x2] =	stream.linear.gather [hbm4b:s1+s3], $0x10000, $0x38;
	[tilespmem:$0x10000] =	vst v63  }
0x7: {  	s6 =	sshll.u32 s2, $0x10;
	s7 =	sshll.u32 s10, $0xF;
	_ =	swait.ge [sflag:s4], $0x10000  }
0x8: {  	s6 =	sor.u32 s7, s6;
	[sflag:s4] =	ssyncset.done $0x0  }
0x9: {  	s5 =	sadd.s32 s5, s6;
	[sflag:s4] =	ssyncadd.s32 $0xFFFF0000  }
0xa: {  	[hbm4b:s5+s3] =	stream.linear.scatter [tilespmem:s3], [sflag:$0x1], $0x10000, $0x38;
	[tilespmem:$0x10000] =	vst v63  }
0xb: {  	s6 =	sadd.s32 $0x2000, s5  }
0xc: {  	[hbm4b:s6+s3] =	stream.linear.scatter [tilespmem:s3], [sflag:$0x1], $0x10000, $0x38;
	[tilespmem:$0x10000] =	vst v63  }
0xd: {  	s7 =	sadd.s32 $0x4000, s5  }
0xe: {  	[hbm4b:s7+s3] =	stream.linear.scatter [tilespmem:s3], [sflag:$0x1], $0x10000, $0x38;
	[tilespmem:$0x10000] =	vst v63  }
0xf: {  	s8 =	simm.s32 $0x1;
	s9 =	sadd.s32 $0x6000, s5  }
0x10: {  	[hbm4b:s9+s3] =	stream.linear.scatter [tilespmem:s3], [sflag:$0x1], $0x10000, $0x38;
	[tilespmem:$0x10000] =	vst v63  }
0x11: {  	_ =	swait.ge [sflag:s8], $0x10000  }
0x12: {  	s10 =	ssub.s32 $0x2, s10;
	[sflag:s8] =	ssyncset.done $0x0  }
0x13: {  	s11 =	sshrl.u32 s10, $0x1;
	[sflag:s8] =	ssyncadd.s32 $0xFFFF0000  }
0x14: {  	s10 =	ssub.s32 s10, s11;
	_ =	swait.ge [sflag:s8], $0x10000  }
0x15: {  	s10 =	smax.u32 s10, $0x1;
	[sflag:s8] =	ssyncset.done $0x0  }
0x16: {  	p0 =	sne.s32 s10, $0x1;
	[sflag:s8] =	ssyncadd.s32 $0xFFFF0000  }
.Ltmp0:
0x17: {  	_ =	swait.ge [sflag:s8], $0x10000;
	(pc) =	sbr.rel @!p0 .LBB2_2-.Ltmp0, $4  }
0x18: {  	[sflag:s8] =	ssyncset.done $0x0  }
0x19: {  	[sflag:s8] =	ssyncadd.s32 $0xFFFF0000  }
0x1a: {  	_ =	swait.ge [sflag:s8], $0x10000  }
0x1b: {  	s10 =	sadd.s32 $0xFFFFFFFF, s10;
	[sflag:s8] =	ssyncset.done $0x0  }
.LBB2_1:
0x1c: {  	p0 =	sne.s32 s10, $0x1;
	s10 =	sadd.s32 $0xFFFFFFFF, s10;
	[sflag:s8] =	ssyncadd.s32 $0xFFFF0000  }
0x1d: {  	[tilespmem:s3], [sflag:$0x2] =	stream.linear.gather [hbm4b:s1+s3], $0x10000, $0x38;
	[tilespmem:$0x10000] =	vst v63  }
0x1e: {  	_ =	swait.ge [sflag:s4], $0x10000  }
0x1f: {  	[sflag:s4] =	ssyncset.done $0x0  }
0x20: {  	[sflag:s4] =	ssyncadd.s32 $0xFFFF0000  }
0x21: {  	[hbm4b:s5+s3] =	stream.linear.scatter [tilespmem:s3], [sflag:$0x1], $0x10000, $0x38;
	[tilespmem:$0x10000] =	vst v63  }
0x22: {  	_ = 	snop  }
0x23: {  	[hbm4b:s6+s3] =	stream.linear.scatter [tilespmem:s3], [sflag:$0x1], $0x10000, $0x38;
	[tilespmem:$0x10000] =	vst v63  }
0x24: {  	_ = 	snop  }
0x25: {  	[hbm4b:s7+s3] =	stream.linear.scatter [tilespmem:s3], [sflag:$0x1], $0x10000, $0x38;
	[tilespmem:$0x10000] =	vst v63  }
0x26: {  	_ = 	snop  }
0x27: {  	[hbm4b:s9+s3] =	stream.linear.scatter [tilespmem:s3], [sflag:$0x1], $0x10000, $0x38;
	[tilespmem:$0x10000] =	vst v63  }
0x28: {  	_ =	swait.ge [sflag:s8], $0x10000  }
0x29: {  	[sflag:s8] =	ssyncset.done $0x0  }
0x2a: {  	[sflag:s8] =	ssyncadd.s32 $0xFFFF0000  }
0x2b: {  	_ =	swait.ge [sflag:s8], $0x10000  }
0x2c: {  	[sflag:s8] =	ssyncset.done $0x0  }
0x2d: {  	[sflag:s8] =	ssyncadd.s32 $0xFFFF0000  }
.Ltmp1:
0x2e: {  	_ =	swait.ge [sflag:s8], $0x10000;
	(pc) =	sbr.rel @p0 .LBB2_1-.Ltmp1, $4  }
0x2f: {  	[sflag:s8] =	ssyncset.done $0x0  }
0x30: {  	[sflag:s8] =	ssyncadd.s32 $0xFFFF0000  }
0x31: {  	_ =	swait.ge [sflag:s8], $0x10000  }
0x32: {  	[sflag:s8] =	ssyncset.done $0x0  }
.LBB2_2:
0x33: {  	[sflag:s8] =	ssyncadd.s32 $0xFFFF0000  }
0x34: {  	_ =	sfence.sel $0x180000  }
0x35: {  	[bflag:$0x0] =	sbarrier.arrive $0xFFFF  }
0x36: {  	p0 =	sne.s32 s2, $0x0;
	_ =	strace $0x90000047  }
0x37: {  	s0 =	sadd.s32 @!p0 $0x100000, s0;
	[bflag:$0x2] =	sbarrier.arrive $0xFFFF  }
0x38: {  	[sflag:s0] =	ssyncadd.tile.s32 @!p0 $0x1;
	_ =	shalt  }
.Lfunc_end2:
_tile_overlayer_lowered:
.L_overlay_start_2:
0x39: {  	(tag) =	ssettag $0x2  }
0x3a: {  	s0 =	rddreg [dreg:$0x0];
	s2 =	stileid.u32  }
0x3b: {  	s1 =	rddreg [dreg:$0x1];
	p0 =	sne.s32 s2, $0x0  }
0x3c: {  	s3 =	rddreg [dreg:$0x2];
	[bflag:$0x3] =	sbarrier.arrive $0xFFFF;
	s2 =	simm.s32 @!p0 $0x1C02  }
0x3d: {  	[timem:s3], [sflag:s2] =	dma.local @!p0 [hbm:s0], s1  }
0x3e: {  	s0 =	simm.s32 @!p0 $0x2  }
0x3f: {  	_ =	swait.ge @!p0 [sflag:s0], s1  }
0x40: {  	s1 =	ssub.s32 @!p0 $0x0, s1;
	[sflag:s0] =	ssyncset.done @!p0 $0x0  }
0x41: {  	[sflag:s0] =	ssyncadd.s32 @!p0 s1  }
0x42: {  	[bflag:$0x3] =	sbarrier.arrive $0xFFFF  }
0x43: {  	_ =	shalt  }

// kernel: kernel.9.cloned.1.call-start
scs
__scs_entry_jumppad:
0x0: {  	(pc) =	sbr.rel $0x88, $3  }
0x1: {  	(tag) =	ssettag $0x0;
	lr =	simm.s32 $0x1  }
0x2: {  	[smem:$0x3F9F] =	sst lr;
	_ =	strace $0xD0000000  }
0x3: {  	_ = 	snop  }
0x4: {  	_ = 	snop  }
0x5: {  	_ = 	snop  }
0x6: {  	_ = 	snop  }
0x7: {  	_ = 	snop  }
__scs_overlays_trampoline_lowered:
0x8: {  	[smem:$0x3FAE] =	sst s0  }
0x9: {  	[smem:$0x3FAF] =	sst s1  }
0xa: {  	[smem:$0x3FB0] =	sst s2  }
0xb: {  	[smem:$0x3FB1] =	sst s3  }
0xc: {  	[smem:$0x3FB2] =	sst s4  }
0xd: {  	[smem:$0x3FB3] =	sst s5  }
0xe: {  	[smem:$0x3FB4] =	sst s6  }
0xf: {  	[smem:$0x3FB5] =	sst s7  }
0x10: {  	[smem:$0x3FB6] =	sst s8  }
0x11: {  	[smem:$0x3FB7] =	sst s9;
	s0 =	simm.s32 @!p0 $0x0  }
0x12: {  	s1 =	sld [smem:$0x3F9D];
	s0 =	simm.s32 @p0 $0x1  }
0x13: {  	[smem:$0x3FB8] =	sst s0;
	s0 =	simm.s32 @!p1 $0x0  }
0x14: {  	s2 =	sld [smem:$0x3F9C];
	s0 =	simm.s32 @p1 $0x1  }
0x15: {  	[smem:$0x3FB9] =	sst s0;
	s0 =	simm.s32 @!p2 $0x0  }
0x16: {  	s3 =	sld [smem:$0x3FDB];
	s0 =	simm.s32 @p2 $0x1  }
0x17: {  	s4 =	simm.s32 $0x1BF5;
	[smem:$0x3FBB] =	sst s0  }
0x18: {  	s0 =	sld [smem:$0x3F9E];
	_ =	swait.ge [sflag:s4], $0x0  }
0x19: {  	s7 =	sld [smem:$0x3F9F]  }
0x1a: {  	s8 =	sadd.s32 $0xFFFFE003, lr  }
0x1b: {  	s9 =	sadd.s32 $0xFFFFFEF7, lr;
	s5 =	simm.s32 $0xFFFFFFFF;
	p2 =	slt.u32 s8, $0xFFFFF086  }
0x1c: {  	p1 =	slt.u32 s9, $0xF7A;
	s5 =	simm.s32 @!p2 $0x0  }
0x1d: {  	s5 =	simm.s32 @p1 $0x1;
	p0 =	seq.s32 s7, s2  }
0x1e: {  	s7 =	smul.u32 @!p0 $0xF7A, s2;
	p2 =	seq.s32 @!p0 s5, $0x0  }
0x1f: {  	s9 =	smul.u32 $0xF7A, s1;
	s8 =	simm.s32 @!p0 $0x1BF5;
	p2 =	por !p2, p0  }
0x20: {  	[sflag:s8] =	ssyncset.s32 @!p0 $0xFFFFF086;
	s6 =	sadd.s32 @!p0 s3, s7;
	s7 =	simm.s32 @!p0 $0x108  }
0x21: {  	s3 =	sadd.s32 s3, s9;
	s6 =	sadd.s32 @!p0 $0x88, s6;
	s7 =	simm.s32 @p2 $0x1082  }
0x22: {  	[simem:s7], [sflag:s8] =	dma.local @!p0 [hbm:s6], $0xF7A  }
0x23: {  	s9 =	sor.u32 $0xD0000000, s2;
	s6 =	simm.s32 $0x108;
	_ =	swait.ge @!p0 [sflag:s8], $0x0  }
0x24: {  	s3 =	sadd.s32 $0x88, s3;
	s6 =	simm.s32 @!p1 $0x1082;
	[sflag:s4] =	ssyncset.s32 $0xFFFFF086  }
0x25: {  	[simem:s6], [sflag:s4] =	dma.local [hbm:s3], $0xF7A  }
0x26: {  	[smem:$0x3F9F] =	sst s1;
	(tag) =	ssettag s2;
	_ =	strace s9  }
0x27: {  	s1 =	sld [smem:$0x3FAF]  }
0x28: {  	s2 =	sld [smem:$0x3FB0]  }
0x29: {  	s4 =	sld [smem:$0x3FB2]  }
0x2a: {  	p0 =	seq.s32 s5, $0x0;
	s5 =	sld [smem:$0x3FB3]  }
0x2b: {  	s6 =	sld [smem:$0x3FB4]  }
0x2c: {  	s7 =	sld [smem:$0x3FB5]  }
0x2d: {  	s3 =	simm.s32 $0x108;
	s8 =	sld [smem:$0x3FB6]  }
0x2e: {  	s3 =	simm.s32 @!p0 $0x1082;
	s9 =	sld [smem:$0x3FB7]  }
0x2f: {  	lr =	sadd.s32 s0, s3;
	s0 =	sld [smem:$0x3FAE]  }
0x30: {  	s3 =	sld [smem:$0x3FB1]  }
0x31: {  	[smem:$0x3FBA] =	sst s10  }
0x32: {  	s10 =	sld [smem:$0x3FB8];
	_ =	sdelay $0x3  }
0x33: {  	p0 =	seq.s32 s10, $0x1;
	s10 =	sld [smem:$0x3FBA];
	_ =	sdelay $0x3  }
0x34: {  	[smem:$0x3FBA] =	sst s10  }
0x35: {  	s10 =	sld [smem:$0x3FB9];
	_ =	sdelay $0x3  }
0x36: {  	p1 =	seq.s32 s10, $0x1;
	s10 =	sld [smem:$0x3FBA];
	_ =	sdelay $0x3  }
0x37: {  	[smem:$0x3FBA] =	sst s10  }
0x38: {  	s10 =	sld [smem:$0x3FBB]  }
0x39: {  	_ = 	snop;
	(pc) =	sbr.ind lr, $3  }
0x3a: {  	_ = 	snop  }
0x3b: {  	_ = 	snop  }
0x3c: {  	p2 =	seq.s32 s10, $0x1;
	s10 =	sld [smem:$0x3FBA]  }
0x3d: {  	_ =	shalt  }
0x3e: {  	_ =	shalt  }
0x3f: {  	_ =	shalt  }
0x40: {  	_ =	shalt  }
0x41: {  	_ =	shalt  }
0x42: {  	_ =	shalt  }
0x43: {  	_ =	shalt  }
0x44: {  	_ =	shalt  }
0x45: {  	_ =	shalt  }
0x46: {  	_ =	shalt  }
0x47: {  	_ =	shalt  }
0x48: {  	_ =	shalt  }
0x49: {  	_ =	shalt  }
0x4a: {  	_ =	shalt  }
0x4b: {  	_ =	shalt  }
0x4c: {  	_ =	shalt  }
0x4d: {  	_ =	shalt  }
0x4e: {  	_ =	shalt  }
0x4f: {  	_ =	shalt  }
0x50: {  	_ =	shalt  }
0x51: {  	_ =	shalt  }
0x52: {  	_ =	shalt  }
0x53: {  	_ =	shalt  }
0x54: {  	_ =	shalt  }
0x55: {  	_ =	shalt  }
0x56: {  	_ =	shalt  }
0x57: {  	_ =	shalt  }
0x58: {  	_ =	shalt  }
0x59: {  	_ =	shalt  }
0x5a: {  	_ =	shalt  }
0x5b: {  	_ =	shalt  }
0x5c: {  	_ =	shalt  }
0x5d: {  	_ =	shalt  }
0x5e: {  	_ =	shalt  }
0x5f: {  	_ =	shalt  }
0x60: {  	_ =	shalt  }
0x61: {  	_ =	shalt  }
0x62: {  	_ =	shalt  }
0x63: {  	_ =	shalt  }
0x64: {  	_ =	shalt  }
0x65: {  	_ =	shalt  }
0x66: {  	_ =	shalt  }
0x67: {  	_ =	shalt  }
0x68: {  	_ =	shalt  }
0x69: {  	_ =	shalt  }
0x6a: {  	_ =	shalt  }
0x6b: {  	_ =	shalt  }
0x6c: {  	_ =	shalt  }
0x6d: {  	_ =	shalt  }
0x6e: {  	_ =	shalt  }
0x6f: {  	_ =	shalt  }
0x70: {  	_ =	shalt  }
0x71: {  	_ =	shalt  }
0x72: {  	_ =	shalt  }
0x73: {  	_ =	shalt  }
0x74: {  	_ =	shalt  }
0x75: {  	_ =	shalt  }
0x76: {  	_ =	shalt  }
0x77: {  	_ =	shalt  }
0x78: {  	_ =	shalt  }
0x79: {  	_ =	shalt  }
0x7a: {  	_ =	shalt  }
0x7b: {  	_ =	shalt  }
0x7c: {  	_ =	shalt  }
0x7d: {  	_ =	shalt  }
0x7e: {  	_ =	shalt  }
0x7f: {  	_ =	shalt  }
0x80: {  	_ =	shalt  }
0x81: {  	_ =	shalt  }
0x82: {  	_ =	shalt  }
0x83: {  	_ =	shalt  }
0x84: {  	_ =	shalt  }
0x85: {  	_ =	shalt  }
0x86: {  	_ =	shalt  }
0x87: {  	_ =	shalt  }
.Lfunc_end0:
.L_simem_size_0:
called_computation.1_lowered:
.L_overlay_start_0:
0x88: {  	s2 =	sld [smem:$0x3FD9]  }
0x89: {  	s3 =	sld [smem:$0x3FFE];
	_ =	sdelay $0x1  }
0x8a: {  	s1 =	srdreg.scid  }
0x8b: {  	s0 =	sand.u32 $0x1, s1  }
0x8c: {  	s14 =	sshll.u32 s0, $0xA;
	s2 =	sadd.s32 s3, s2  }
0x8d: {  	s2 =	sadd.s32 s2, s14  }
0x8e: {  	[smem:$0x3FC6] =	sst s2  }
0x8f: {  	_ = 	snop  }
0x90: {  	s2 =	sld [smem:$0x3FD0];
	_ =	sdelay $0x2  }
0x91: {  	s15 =	simm.s32 $0xA;
	s4 =	simm.s32 $0x10  }
0x92: {  	[smem:s4], [sflag:s15] =	dma.local [hbm:s2], $0x1  }
0x93: {  	_ =	swait.eq [sflag:s15], $0x1  }
0x94: {  	[sflag:s15] =	ssyncset.done $0x0  }
0x95: {  	[sflag:s15] =	ssyncadd.s32 $0xFFFFFFFF  }
0x96: {  	s16 =	sld [smem:$0x11];
	(tm) =	ssettm $0x1  }
0x97: {  	s17 =	sld [smem:$0x3FFB];
	_ =	sdelay $0x3  }
0x98: {  	_ =	strace s17  }
0x99: {  	s3 =	sld [smem:$0x3FFC];
	_ =	sdelay $0x3  }
0x9a: {  	_ =	strace s3  }
0x9b: {  	s3 =	sld [smem:$0x3FFD];
	_ =	sdelay $0x3  }
0x9c: {  	_ =	strace s3  }
0x9d: {  	_ =	strace $0x8FFFFFFF  }
0x9e: {  	s18 =	sld [smem:$0x3FDB];
	_ =	sdelay $0x1  }
0x9f: {  	s19 =	simm.s32 $_scs_section_size  }
0xa0: {  	s5 =	simm.s32 $_size__tile_overlayer_lowered;
	s6 =	simm.s32 $_tile_overlayer_lowered  }
0xa1: {  	s22 =	simm.s32 $0x1BFF;
	s21 =	sshll.u32 s6, $0x1;
	s3 =	sadd.s32 s19, s18  }
0xa2: {  	s7 =	simm.s32 $0x0;
	s20 =	sshll.u32 s5, $0x1;
	s5 =	sadd.s32 s21, s3  }
0xa3: {  	[timem:s7], [sflag:s22] =	dma.local [hbm:s5], s20  }
0xa4: {  	_ =	swait.ge [sflag:s22], s20  }
0xa5: {  	s4 =	ssub.s32 $0x0, s20;
	[sflag:s22] =	ssyncset.done $0x0  }
0xa6: {  	[sflag:s22] =	ssyncadd.s32 s4;
	_ =	sdelay $0x1  }
0xa7: {  	s23 =	simm.s32 $0x1B8B  }
0xa8: {  	_ =	swait.ge [sflag:s23], $0x1  }
0xa9: {  	[sflag:s23] =	ssyncset.done $0x0  }
0xaa: {  	s25 =	simm.s32 $0x1B8E;
	s24 =	sld [smem:$0x3FFE];
	[sflag:s23] =	ssyncadd.s32 $0xFFFFFFFF  }
0xab: {  	s26 =	simm.s32 $execute0_lowered;
	[smem:$0x3FD2] =	sst s25  }
0xac: {  	s5 =	sshll.u32 s26, $0x1;
	_ =	strace $0x80000049;
	[dreg:$0x1] =	wrdreg $0xFFFFFFFF  }
0xad: {  	s28 =	simm.s32 $_size_execute0_lowered;
	s3 =	sadd.s32 s3, s5;
	[dreg:$0x0] =	wrdreg $0x0  }
0xae: {  	s5 =	sshll.u32 s28, $0x1;
	[dreg:$0x2] =	wrdreg s3  }
0xaf: {  	[dreg:$0x3] =	wrdreg s5  }
0xb0: {  	[dreg:$0x4] =	wrdreg $0xC0  }
0xb1: {  	_ =	task [dreg:s7], $0x5FFFF  }
0xb2: {  	[dreg:$0x1] =	wrdreg $0xFFFFFFFF  }
0xb3: {  	[dreg:$0x0] =	wrdreg $0x60  }
0xb4: {  	[dreg:$0x2] =	wrdreg s24  }
0xb5: {  	[dreg:$0x3] =	wrdreg s16  }
0xb6: {  	[dreg:$0x4] =	wrdreg $0x9  }
0xb7: {  	_ =	task.clear_ibuf [dreg:s7], $0x5FFFF;
	_ =	strace $0x90000049  }
0xb8: {  	s29 =	simm.s32 $0x9;
	_ =	strace $0x8000004B  }
0xb9: {  	_ =	swait.ge [sflag:s29], $0x1  }
0xba: {  	[sflag:s29] =	ssyncadd.s32 $0xFFFFFFFF  }
0xbb: {  	_ =	strace $0x9000004B  }
0xbc: {  	_ =	sfence  }
0xbd: {  	s30 =	sld [smem:$0x0];
	_ =	sdelay $0x2  }
0xbe: {  	s31 =	sshll.u32 s1, $0xD;
	s1 =	sshrl.u32 s1, $0x2  }
0xbf: {  	s3 =	sand.u32 $0x4000, s31;
	s1 =	sadd.s32 s1, s30  }
0xc0: {  	s0 =	sor.u32 s3, s0;
	s1 =	sshll.u32 s1, $0x11  }
0xc1: {  	s0 =	sor.u32 s1, s0  }
0xc2: {  	s0 =	sadd.s32 $0x8F2B, s0  }
0xc3: {  	[sflag:s0] =	ssyncadd.remote.s32 $0x1  }
0xc4: {  	_ =	sfence.sel $0xFFFF  }
0xc5: {  	[dreg:$0x0] =	wrdreg $0xFFFFFFFF;
	(pc) =	sbr.abs _section_cstart, $3  }
0xc6: {  	[dreg:$0x1] =	wrdreg $0xFFFFFFFF  }
0xc7: {  	_ =	task.clear_ibuf [dreg:s7], $0x2FFFF;
	_ =	strace $0x9FFFFFFF  }
0xc8: {  	(tm) =	ssettm $0x7FFFFFFF  }
0xc9: {  	_ =	shalt  }
tec
execute0_lowered:
.L_overlay_start_1:
0x0: {  	(tag) =	ssettag $0x1  }
0x1: {  	s4 =	rddreg [dreg:$0x0]  }
0x2: {  	s2 =	rddreg [dreg:$0x1]  }
0x3: {  	s0 =	rddreg [dreg:$0x2]  }
0x4: {  	s3 =	simm.s32 $0x0;
	s5 =	srdreg.scid;
	s1 =	stileid.u32  }
0x5: {  	s9 =	simm.s32 $0x880;
	s10 =	simm.s32 $0x1080;
	s11 =	simm.s32 $0x1880  }
0x6: {  	s12 =	simm.s32 $0x2080;
	s13 =	simm.s32 $0x2880;
	s14 =	simm.s32 $0x3080  }
0x7: {  	s15 =	simm.s32 $0x3880;
	s16 =	simm.s32 $0x4080;
	s17 =	simm.s32 $0x4880  }
0x8: {  	s18 =	simm.s32 $0x5080;
	s19 =	simm.s32 $0x5880;
	s20 =	simm.s32 $0x6080  }
0x9: {  	s21 =	simm.s32 $0x6880;
	s22 =	simm.s32 $0x7080;
	s23 =	simm.s32 $0x7880  }
0xa: {  	[smem:$0x7FF] =	sst s3;
	s5 =	sand.u32 $0x1, s5;
	s6 =	sshll.u32 s1, $0x1  }
0xb: {  	s24 =	simm.s32 $0x2;
	_ =	strace $0x8000004A;
	s6 =	sor.u32 s5, s6  }
0xc: {  	s5 =	ssub.s32 $0x2, s5;
	s7 =	sshll.u32 s6, $0xC;
	s6 =	sshll.u32 s6, $0x4  }
0xd: {  	v2 =	vlaneseq.u32;
	s8 =	sshrl.u32 s5, $0x1;
	s7 =	sadd.s32 s7, s4;
	s4 =	sadd.s32 s6, s4  }
0xe: {  	vm0 =	vmmov $0xffff;
	v1 =	vshrl.u32 v2, $0x3;
	s31 =	ssub.s32 s5, s8;
	s8 =	simm.s32 $0x1;
	s4 =	sadd.s32 $0x21200, s4  }
0xf: {  	v0 =	vand.u32 $0x7, v2;
	v2 =	vor.u32 $0x8, v2;
	v1 =	vmul.u32 $0x8, v1;
	s5 =	sadd.s32 $0x1200, s7;
	s6 =	smax.u32 s31, $0x1;
	s7 =	simm.s32 $0x80  }
.LBB2_1:
0x10: {  	[tilespmem:s3], [sflag:$0x1] =	stream.linear.gather [hbm4b:s4+s3], $0x80, $0x38;
	[tilespmem:$0x8080] =	vst v63  }
0x11: {  	_ = 	snop  }
0x12: {  	[tilespmem:s7], [sflag:$0x1] =	stream.linear.gather [hbm4b:s5+s3], $0x8000, $0x38;
	[tilespmem:$0x8080] =	vst v63  }
0x13: {  	_ =	swait.ge [sflag:s8], $0x80  }
0x14: {  	[sflag:s8] =	ssyncset.done $0x0  }
0x15: {  	[sflag:s8] =	ssyncadd.s32 $0xFFFFFF80  }
0x16: {  	_ =	swait.ge [sflag:s8], $0x8000  }
0x17: {  	[sflag:s8] =	ssyncset.done $0x0  }
0x18: {  	[sflag:s8] =	ssyncadd.s32 $0xFFFF8000  }
0x19: {  	v3 =	vld [tilespmem:$0x0];
	_ =	sdelay $0x4  }
0x1a: {  	v4 =	vshll.u32 v3, $0x1  }
0x1b: {  	v3 =	vand.u32 $0x7, v3;
	v4 =	vand.u32 $0xFFFFFFF0, v4  }
0x1c: {  	v3 =	vor.u32 v3, v4  }
0x1d: {  	v4 =	vperm.xlane v3, v0;
	_ =	sdelay $0x1  }
0x1e: {  	v3 =	vperm.xlane v3, v2;
	v4 =	vadd.s32 v1, v4;
	_ =	sdelay $0x1  }
0x1f: {  	v3 =	vadd.s32 v1, v3;
	_ =	sdelay $0x2  }
0x20: {  	[hbm4b:s2+s3] =	stream.indirect_vreg.scatter [tilespmem:s7], [sflag:$0x2], $0x80, v4, vm0, $0xb8;
	[tilespmem:$0x8080] =	vst v63  }
0x21: {  	_ = 	snop  }
0x22: {  	[hbm4b:s2+s3] =	stream.indirect_vreg.scatter [tilespmem:s9], [sflag:$0x2], $0x80, v3, vm0, $0xb8;
	[tilespmem:$0x8080] =	vst v63  }
0x23: {  	v3 =	vld [tilespmem:$0x10];
	_ =	sdelay $0x4  }
0x24: {  	v57 =	vshll.u32 v3, $0x1  }
0x25: {  	v3 =	vand.u32 $0x7, v3;
	v4 =	vand.u32 $0xFFFFFFF0, v57  }
0x26: {  	v3 =	vor.u32 v3, v4  }
0x27: {  	v4 =	vperm.xlane v3, v0;
	_ =	sdelay $0x1  }
0x28: {  	v3 =	vperm.xlane v3, v2;
	v4 =	vadd.s32 v1, v4;
	_ =	sdelay $0x1  }
0x29: {  	v3 =	vadd.s32 v1, v3;
	_ =	sdelay $0x2  }
0x2a: {  	[hbm4b:s2+s3] =	stream.indirect_vreg.scatter [tilespmem:s10], [sflag:$0x2], $0x80, v4, vm0, $0xb8;
	[tilespmem:$0x8080] =	vst v63  }
0x2b: {  	_ = 	snop  }
0x2c: {  	[hbm4b:s2+s3] =	stream.indirect_vreg.scatter [tilespmem:s11], [sflag:$0x2], $0x80, v3, vm0, $0xb8;
	[tilespmem:$0x8080] =	vst v63  }
0x2d: {  	v3 =	vld [tilespmem:$0x20];
	_ =	sdelay $0x4  }
0x2e: {  	v58 =	vshll.u32 v3, $0x1  }
0x2f: {  	v3 =	vand.u32 $0x7, v3;
	v4 =	vand.u32 $0xFFFFFFF0, v58  }
0x30: {  	v3 =	vor.u32 v3, v4  }
0x31: {  	v4 =	vperm.xlane v3, v0;
	_ =	sdelay $0x1  }
0x32: {  	v3 =	vperm.xlane v3, v2;
	v4 =	vadd.s32 v1, v4;
	_ =	sdelay $0x1  }
0x33: {  	v3 =	vadd.s32 v1, v3;
	_ =	sdelay $0x2  }
0x34: {  	[hbm4b:s2+s3] =	stream.indirect_vreg.scatter [tilespmem:s12], [sflag:$0x2], $0x80, v4, vm0, $0xb8;
	[tilespmem:$0x8080] =	vst v63  }
0x35: {  	_ = 	snop  }
0x36: {  	[hbm4b:s2+s3] =	stream.indirect_vreg.scatter [tilespmem:s13], [sflag:$0x2], $0x80, v3, vm0, $0xb8;
	[tilespmem:$0x8080] =	vst v63  }
0x37: {  	v3 =	vld [tilespmem:$0x30];
	_ =	sdelay $0x4  }
0x38: {  	v59 =	vshll.u32 v3, $0x1  }
0x39: {  	v3 =	vand.u32 $0x7, v3;
	v4 =	vand.u32 $0xFFFFFFF0, v59  }
0x3a: {  	v3 =	vor.u32 v3, v4  }
0x3b: {  	v4 =	vperm.xlane v3, v0;
	_ =	sdelay $0x1  }
0x3c: {  	v3 =	vperm.xlane v3, v2;
	v4 =	vadd.s32 v1, v4;
	_ =	sdelay $0x1  }
0x3d: {  	v3 =	vadd.s32 v1, v3;
	_ =	sdelay $0x2  }
0x3e: {  	[hbm4b:s2+s3] =	stream.indirect_vreg.scatter [tilespmem:s14], [sflag:$0x2], $0x80, v4, vm0, $0xb8;
	[tilespmem:$0x8080] =	vst v63  }
0x3f: {  	_ = 	snop  }
0x40: {  	[hbm4b:s2+s3] =	stream.indirect_vreg.scatter [tilespmem:s15], [sflag:$0x2], $0x80, v3, vm0, $0xb8;
	[tilespmem:$0x8080] =	vst v63  }
0x41: {  	v3 =	vld [tilespmem:$0x40];
	_ =	sdelay $0x4  }
0x42: {  	v60 =	vshll.u32 v3, $0x1  }
0x43: {  	v3 =	vand.u32 $0x7, v3;
	v4 =	vand.u32 $0xFFFFFFF0, v60  }
0x44: {  	v3 =	vor.u32 v3, v4  }
0x45: {  	v4 =	vperm.xlane v3, v0;
	_ =	sdelay $0x1  }
0x46: {  	v3 =	vperm.xlane v3, v2;
	v4 =	vadd.s32 v1, v4;
	_ =	sdelay $0x1  }
0x47: {  	v3 =	vadd.s32 v1, v3;
	_ =	sdelay $0x2  }
0x48: {  	[hbm4b:s2+s3] =	stream.indirect_vreg.scatter [tilespmem:s16], [sflag:$0x2], $0x80, v4, vm0, $0xb8;
	[tilespmem:$0x8080] =	vst v63  }
0x49: {  	_ = 	snop  }
0x4a: {  	[hbm4b:s2+s3] =	stream.indirect_vreg.scatter [tilespmem:s17], [sflag:$0x2], $0x80, v3, vm0, $0xb8;
	[tilespmem:$0x8080] =	vst v63  }
0x4b: {  	v3 =	vld [tilespmem:$0x50];
	_ =	sdelay $0x4  }
0x4c: {  	v61 =	vshll.u32 v3, $0x1  }
0x4d: {  	v3 =	vand.u32 $0x7, v3;
	v4 =	vand.u32 $0xFFFFFFF0, v61  }
0x4e: {  	v3 =	vor.u32 v3, v4  }
0x4f: {  	v4 =	vperm.xlane v3, v0;
	_ =	sdelay $0x1  }
0x50: {  	v3 =	vperm.xlane v3, v2;
	v4 =	vadd.s32 v1, v4;
	_ =	sdelay $0x1  }
0x51: {  	v3 =	vadd.s32 v1, v3;
	_ =	sdelay $0x2  }
0x52: {  	[hbm4b:s2+s3] =	stream.indirect_vreg.scatter [tilespmem:s18], [sflag:$0x2], $0x80, v4, vm0, $0xb8;
	[tilespmem:$0x8080] =	vst v63  }
0x53: {  	_ = 	snop  }
0x54: {  	[hbm4b:s2+s3] =	stream.indirect_vreg.scatter [tilespmem:s19], [sflag:$0x2], $0x80, v3, vm0, $0xb8;
	[tilespmem:$0x8080] =	vst v63  }
0x55: {  	v3 =	vld [tilespmem:$0x60];
	_ =	sdelay $0x4  }
0x56: {  	v62 =	vshll.u32 v3, $0x1  }
0x57: {  	v3 =	vand.u32 $0x7, v3;
	v4 =	vand.u32 $0xFFFFFFF0, v62  }
0x58: {  	v3 =	vor.u32 v3, v4  }
0x59: {  	v4 =	vperm.xlane v3, v0;
	_ =	sdelay $0x1  }
0x5a: {  	v3 =	vperm.xlane v3, v2;
	v4 =	vadd.s32 v1, v4;
	_ =	sdelay $0x1  }
0x5b: {  	v3 =	vadd.s32 v1, v3;
	_ =	sdelay $0x2  }
0x5c: {  	[hbm4b:s2+s3] =	stream.indirect_vreg.scatter [tilespmem:s20], [sflag:$0x2], $0x80, v4, vm0, $0xb8;
	[tilespmem:$0x8080] =	vst v63  }
0x5d: {  	_ = 	snop  }
0x5e: {  	[hbm4b:s2+s3] =	stream.indirect_vreg.scatter [tilespmem:s21], [sflag:$0x2], $0x80, v3, vm0, $0xb8;
	[tilespmem:$0x8080] =	vst v63  }
0x5f: {  	v3 =	vld [tilespmem:$0x70];
	_ =	sdelay $0x4  }
0x60: {  	v63 =	vshll.u32 v3, $0x1  }
0x61: {  	v3 =	vand.u32 $0x7, v3;
	v4 =	vand.u32 $0xFFFFFFF0, v63  }
0x62: {  	v3 =	vor.u32 v3, v4  }
0x63: {  	v4 =	vperm.xlane v3, v0;
	_ =	sdelay $0x1  }
0x64: {  	v3 =	vperm.xlane v3, v2;
	v4 =	vadd.s32 v1, v4;
	_ =	sdelay $0x1  }
0x65: {  	v3 =	vadd.s32 v1, v3;
	_ =	sdelay $0x1  }
0x66: {  	p0 =	sne.s32 s6, $0x1  }
0x67: {  	[hbm4b:s2+s3] =	stream.indirect_vreg.scatter [tilespmem:s22], [sflag:$0x2], $0x80, v4, vm0, $0xb8;
	[tilespmem:$0x8080] =	vst v63  }
.Ltmp0:
0x68: {  	_ = 	snop;
	(pc) =	sbr.rel @p0 .LBB2_1-.Ltmp0, $4  }
0x69: {  	[hbm4b:s2+s3] =	stream.indirect_vreg.scatter [tilespmem:s23], [sflag:$0x2], $0x80, v3, vm0, $0xb8;
	[tilespmem:$0x8080] =	vst v63  }
0x6a: {  	_ =	swait.ge [sflag:s24], $0x8000  }
0x6b: {  	[sflag:s24] =	ssyncset.done $0x0  }
0x6c: {  	s6 =	sadd.s32 $0xFFFFFFFF, s6;
	[sflag:s24] =	ssyncadd.s32 $0xFFFF8000  }
0x6d: {  	_ =	sfence.sel $0x180000  }
0x6e: {  	[bflag:$0x0] =	sbarrier.arrive $0xFFFF  }
0x6f: {  	p0 =	sne.s32 s1, $0x0;
	_ =	strace $0x9000004A  }
0x70: {  	s0 =	sadd.s32 @!p0 $0x100000, s0;
	[bflag:$0x2] =	sbarrier.arrive $0xFFFF  }
0x71: {  	[sflag:s0] =	ssyncadd.tile.s32 @!p0 $0x1;
	_ =	shalt  }
.Lfunc_end2:
_tile_overlayer_lowered:
.L_overlay_start_2:
0x72: {  	(tag) =	ssettag $0x2  }
0x73: {  	s0 =	rddreg [dreg:$0x0];
	s2 =	stileid.u32  }
0x74: {  	s1 =	rddreg [dreg:$0x1];
	p0 =	sne.s32 s2, $0x0  }
0x75: {  	s3 =	rddreg [dreg:$0x2];
	[bflag:$0x3] =	sbarrier.arrive $0xFFFF;
	s2 =	simm.s32 @!p0 $0x1C02  }
0x76: {  	[timem:s3], [sflag:s2] =	dma.local @!p0 [hbm:s0], s1  }
0x77: {  	s0 =	simm.s32 @!p0 $0x2  }
0x78: {  	_ =	swait.ge @!p0 [sflag:s0], s1  }
0x79: {  	s1 =	ssub.s32 @!p0 $0x0, s1;
	[sflag:s0] =	ssyncset.done @!p0 $0x0  }
0x7a: {  	[sflag:s0] =	ssyncadd.s32 @!p0 s1  }
0x7b: {  	[bflag:$0x3] =	sbarrier.arrive $0xFFFF  }
0x7c: {  	_ =	shalt  }

</sc_bundles>
